<compile_context>
chip_gen: v7x
topology: tpu7x:2x2x1
jax: 0.10.2.dev20260603
libtpu: 0.0.44.dev20260713+nightly
codegen_flags: <defaults>
</compile_context>

<pallas_src>
import functools
import math

import jax
import jax.numpy as jnp
from jax import lax
from jax.experimental import pallas as pl
from jax.experimental.pallas import tpu as pltpu
from jax.experimental.pallas import tpu_sc as plsc

EMB = 64
SCALE = math.sqrt(EMB)
NC = 2
NS = 16
NW = NC * NS
L = 16
SG = 4

def _emb_body(seq, tok_hbm, table_hbm, out_hbm,
              traw, idxf, gbuf, obuf, g_sems, s_sems):
    wid = lax.axis_index("s") * NC + lax.axis_index("c")
    b0 = wid * 128
    n_groups = seq // SG
    gn = SG * 128

    def stage_group(gr, bb):
        pltpu.sync_copy(tok_hbm.at[pl.ds(gr * SG, SG), pl.ds(b0, 128)],
                        traw.at[bb])

        @plsc.parallel_loop(0, gn // L, unroll=4)
        def _(i):
            r = i // (128 // L)
            sl = pl.ds((i % (128 // L)) * L, L)
            idxf[bb, pl.ds(i * L, L)] = traw[bb, r, sl]

    def start_gather(gr, bb):
        pltpu.async_copy(
            table_hbm.at[idxf.at[bb]],
            gbuf.at[bb],
            g_sems.at[bb],
        )

    def wait_gather(gr, bb):
        pltpu.make_async_copy(
            table_hbm.at[idxf.at[bb]],
            gbuf.at[bb],
            g_sems.at[bb],
        ).wait()

    def wait_store(s, ob):
        pltpu.make_async_copy(
            obuf.at[ob, :, pl.ds(0, 128)],
            out_hbm.at[s, :, pl.ds(b0, 128)],
            s_sems.at[ob],
        ).wait()

    stage_group(0, 0)
    start_gather(0, 0)
    iota = lax.iota(jnp.int32, L)

    def g_body(gr, carry):
        bb = lax.rem(gr, 2)
        nb = lax.rem(gr + 1, 2)

        @pl.when(gr + 1 < n_groups)
        def _():
            stage_group(gr + 1, nb)
            start_gather(gr + 1, nb)

        wait_gather(gr, bb)

        for s8 in range(SG):
            s = gr * SG + s8
            ob = lax.rem(s, 2)

            @pl.when(s >= 2)
            def _():
                wait_store(s - 2, ob)

            @plsc.parallel_loop(0, 128, unroll=2)
            def _(r):
                bcol = jnp.full((L,), r, jnp.int32)
                for j in range(EMB // L):
                    val = gbuf[bb, s8 * 128 + r, pl.ds(j * L, L)] * SCALE
                    plsc.store_scatter(obuf.at[ob], [iota + j * L, bcol], val)

            pltpu.async_copy(
                obuf.at[ob, :, pl.ds(0, 128)],
                out_hbm.at[s, :, pl.ds(b0, 128)],
                s_sems.at[ob],
            )
        return carry

    lax.fori_loop(0, n_groups, g_body, 0)
    wait_store(seq - 2, lax.rem(seq - 2, 2))
    wait_store(seq - 1, lax.rem(seq - 1, 2))


def kernel(tokens, embedding_weight):
    b, s = tokens.shape
    v, e = embedding_weight.shape
    assert b == NW * 128 and e == EMB and s % (2 * SG) == 0

    mesh = plsc.VectorSubcoreMesh(core_axis_name="c", subcore_axis_name="s")
    tokens_t = tokens.T.astype(jnp.int32)
    run = pl.kernel(
        functools.partial(_emb_body, s),
        mesh=mesh,
        out_type=jax.ShapeDtypeStruct((s, EMB, b), jnp.float32),
        scratch_types=[
            pltpu.VMEM((2, SG, 128), jnp.int32),
            pltpu.VMEM((2, SG * 128), jnp.int32),
            pltpu.VMEM((2, SG * 128, EMB), jnp.float32),
            pltpu.VMEM((2, EMB, 129), jnp.float32),
            pltpu.SemaphoreType.DMA((2,)),
            pltpu.SemaphoreType.DMA((2,)),
        ],
        compiler_params=pltpu.CompilerParams(
            use_tc_tiling_on_sc=False, needs_layout_passes=False),
    )
    out = run(tokens_t, embedding_weight)
    return out.transpose(2, 0, 1)

# --- scband reference (transcript-rebuilt; emitter-appended) ---
"""Pipeline reference for scband-token-embedding-26036091749086 (READ-ONLY COPY).

The authoritative reference and input builder live on the scoring server;
editing this copy changes nothing except your own understanding.
"""

import jax, jax.numpy as jnp
import numpy as np
import math

VOCAB_SIZE = 1000000
EMB_SIZE = 64
BATCH = 4096
SEQ = 200

def setup_inputs(seed: int = 0) -> dict:
    key = jax.random.key(seed)
    k_tok, k_emb = jax.random.split(key)
    tokens = jax.random.randint(k_tok, (BATCH, SEQ), 0, VOCAB_SIZE, dtype=jnp.int64 if jax.config.jax_enable_x64 else jnp.int32)
    embedding_weight = jax.random.normal(k_emb, (VOCAB_SIZE, EMB_SIZE), dtype=jnp.float32)
    return {"tokens": tokens, "embedding_weight": embedding_weight}

def reference(tokens, embedding_weight):
    # nn.Embedding lookup: gather rows of the table, then scale by sqrt(emb_size)
    emb = jnp.take(embedding_weight, tokens, axis=0)
    return emb * math.sqrt(EMB_SIZE)

if __name__ == "__main__":
    import jax
    _d = setup_inputs()
    print(jax.jit(kernel)(*tuple(_d.values())))

</pallas_src>

<mosaic_0001>
#map = affine_map<(d0, d1) -> (0, 0)>
#map1 = affine_map<(d0, d1) -> (0, 0, 0)>
module attributes {stable_mosaic.version = 14 : i64} {
  func.func @_emb_body(%arg0: i32, %arg1: i32, %arg2: memref<200x4096xi32, #tpu.memory_space<hbm>>, %arg3: memref<1000000x64xf32, #tpu.memory_space<hbm>>, %arg4: memref<200x64x4096xf32, #tpu.memory_space<hbm>>, %arg5: memref<2x4x128xi32, #tpu.memory_space<vmem>>, %arg6: memref<2x512xi32, #tpu.memory_space<vmem>>, %arg7: memref<2x512x64xf32, #tpu.memory_space<vmem>>, %arg8: memref<2x64x129xf32, #tpu.memory_space<vmem>>, %arg9: memref<2x!tpu.dma_semaphore, #tpu.memory_space<semaphore_mem>>, %arg10: memref<2x!tpu.dma_semaphore, #tpu.memory_space<semaphore_mem>>) attributes {dimension_semantics = [#tpu.dimension_semantics<core_parallel>, #tpu.dimension_semantics<subcore_parallel>], iteration_bounds = array<i64: 2, 16>, scalar_prefetch = 0 : i64, scratch_operands = 6 : i64, tpu.core_type = #tpu.core_type<sc_vector_subcore>, window_params = [{transform_indices = #map}, {transform_indices = #map}, {transform_indices = #map1}]} {
    %mul3A = arith.constant 2 : i32
    %mul3A_0 = arith.muli %arg1, %mul3A : i32
    %add3A = arith.addi %mul3A_0, %arg0 : i32
    %mul3A_1 = arith.constant 128 : i32
    %mul3A_2 = arith.muli %add3A, %mul3A_1 : i32
    %run_scoped3A = arith.constant 0 : i32
    "tpu.region"() ({
      %run_scoped3A_62 = tpu.sem_alloc : memref<!tpu.dma_semaphore, #tpu.memory_space<semaphore_mem>>
      %dma_start3A_63 = arith.constant 0 : i32
      %dma_start3A_64 = arith.constant 0 : i32
      %dma_start3A_65 = tpu.memref_slice %arg5[%run_scoped3A, %dma_start3A_63, %dma_start3A_64] : memref<2x4x128xi32, #tpu.memory_space<vmem>> -> memref<1x4x128xi32, #tpu.memory_space<vmem>>
      %dma_start3A_66 = tpu.memref_squeeze %dma_start3A_65 : memref<1x4x128xi32, #tpu.memory_space<vmem>> -> memref<4x128xi32, #tpu.memory_space<vmem>>
      %dma_start3A_67 = arith.constant 0 : i32
      %dma_start3A_68 = tpu.memref_slice %arg2[%dma_start3A_67, %mul3A_2] : memref<200x4096xi32, #tpu.memory_space<hbm>> -> memref<4x128xi32, #tpu.memory_space<hbm>>
      %dma_start3A_69 = arith.constant 0 : i32
      %dma_start3A_70 = arith.constant 0 : i32
      %dma_start3A_71 = tpu.memref_slice %arg5[%run_scoped3A, %dma_start3A_69, %dma_start3A_70] : memref<2x4x128xi32, #tpu.memory_space<vmem>> -> memref<1x4x128xi32, #tpu.memory_space<vmem>>
      %dma_start3A_72 = tpu.memref_squeeze %dma_start3A_71 : memref<1x4x128xi32, #tpu.memory_space<vmem>> -> memref<4x128xi32, #tpu.memory_space<vmem>>
      %dma_start3A_73 = arith.constant 0 : i32
      %dma_start3A_74 = tpu.memref_slice %arg2[%dma_start3A_73, %mul3A_2] : memref<200x4096xi32, #tpu.memory_space<hbm>> -> memref<4x128xi32, #tpu.memory_space<hbm>>
      tpu.enqueue_dma source(%dma_start3A_74 : memref<4x128xi32, #tpu.memory_space<hbm>>) target(%dma_start3A_72 : memref<4x128xi32, #tpu.memory_space<vmem>>) target_semaphore(%run_scoped3A_62 : memref<!tpu.dma_semaphore, #tpu.memory_space<semaphore_mem>>)
      %dma_wait3A_75 = arith.constant 0 : i32
      %dma_wait3A_76 = arith.constant 0 : i32
      %dma_wait3A_77 = tpu.memref_slice %arg5[%run_scoped3A, %dma_wait3A_75, %dma_wait3A_76] : memref<2x4x128xi32, #tpu.memory_space<vmem>> -> memref<1x4x128xi32, #tpu.memory_space<vmem>>
      %dma_wait3A_78 = tpu.memref_squeeze %dma_wait3A_77 : memref<1x4x128xi32, #tpu.memory_space<vmem>> -> memref<4x128xi32, #tpu.memory_space<vmem>>
      %dma_wait3A_79 = arith.constant 0 : i32
      %dma_wait3A_80 = tpu.memref_slice %arg2[%dma_wait3A_79, %mul3A_2] : memref<200x4096xi32, #tpu.memory_space<hbm>> -> memref<4x128xi32, #tpu.memory_space<hbm>>
      %dma_wait3A_81 = arith.constant 0 : i32
      %dma_wait3A_82 = arith.constant 0 : i32
      %dma_wait3A_83 = tpu.memref_slice %arg5[%run_scoped3A, %dma_wait3A_81, %dma_wait3A_82] : memref<2x4x128xi32, #tpu.memory_space<vmem>> -> memref<1x4x128xi32, #tpu.memory_space<vmem>>
      %dma_wait3A_84 = tpu.memref_squeeze %dma_wait3A_83 : memref<1x4x128xi32, #tpu.memory_space<vmem>> -> memref<4x128xi32, #tpu.memory_space<vmem>>
      %dma_wait3A_85 = arith.constant 0 : i32
      %dma_wait3A_86 = tpu.memref_slice %arg2[%dma_wait3A_85, %mul3A_2] : memref<200x4096xi32, #tpu.memory_space<hbm>> -> memref<4x128xi32, #tpu.memory_space<hbm>>
      tpu.wait_dma2 semaphore(%run_scoped3A_62 : memref<!tpu.dma_semaphore, #tpu.memory_space<semaphore_mem>>) src(%dma_wait3A_86 : memref<4x128xi32, #tpu.memory_space<hbm>>) dst(%dma_wait3A_84 : memref<4x128xi32, #tpu.memory_space<vmem>>)
      tpu.yield
    }) : () -> ()
    %parallel_loop3A = arith.constant 0 : i32
    %parallel_loop3A_3 = arith.constant 32 : i32
    %parallel_loop3A_4 = arith.constant 1 : i32
    scf.for %parallel_loop3A_62 = %parallel_loop3A to %parallel_loop3A_3 step %parallel_loop3A_4  : i32 {
      %parallel_loop3A_63 = arith.constant 8 : i32
      %parallel_loop3A_64 = arith.divsi %parallel_loop3A_62, %parallel_loop3A_63 : i32
      %parallel_loop3A_65 = arith.constant 0 : i32
      %parallel_loop3A_66 = arith.cmpi sgt, %parallel_loop3A_62, %parallel_loop3A_65 : i32
      %parallel_loop3A_67 = arith.extui %parallel_loop3A_66 : i1 to i32
      %parallel_loop3A_68 = arith.constant 0 : i32
      %parallel_loop3A_69 = arith.cmpi slt, %parallel_loop3A_62, %parallel_loop3A_68 : i32
      %parallel_loop3A_70 = arith.extui %parallel_loop3A_69 : i1 to i32
      %parallel_loop3A_71 = arith.subi %parallel_loop3A_67, %parallel_loop3A_70 : i32
      %parallel_loop3A_72 = arith.constant 0 : i32
      %parallel_loop3A_73 = arith.cmpi sgt, %parallel_loop3A_63, %parallel_loop3A_72 : i32
      %parallel_loop3A_74 = arith.extui %parallel_loop3A_73 : i1 to i32
      %parallel_loop3A_75 = arith.constant 0 : i32
      %parallel_loop3A_76 = arith.cmpi slt, %parallel_loop3A_63, %parallel_loop3A_75 : i32
      %parallel_loop3A_77 = arith.extui %parallel_loop3A_76 : i1 to i32
      %parallel_loop3A_78 = arith.subi %parallel_loop3A_74, %parallel_loop3A_77 : i32
      %parallel_loop3A_79 = arith.cmpi ne, %parallel_loop3A_71, %parallel_loop3A_78 : i32
      %parallel_loop3A_80 = arith.remsi %parallel_loop3A_62, %parallel_loop3A_63 : i32
      %parallel_loop3A_81 = arith.constant 0 : i32
      %parallel_loop3A_82 = arith.cmpi ne, %parallel_loop3A_80, %parallel_loop3A_81 : i32
      %parallel_loop3A_83 = arith.andi %parallel_loop3A_79, %parallel_loop3A_82 : i1
      %parallel_loop3A_84 = arith.constant 1 : i32
      %parallel_loop3A_85 = arith.subi %parallel_loop3A_64, %parallel_loop3A_84 : i32
      %parallel_loop3A_86 = arith.select %parallel_loop3A_83, %parallel_loop3A_85, %parallel_loop3A_64 : i32
      %parallel_loop3A_87 = arith.constant 8 : i32
      %parallel_loop3A_88 = arith.constant 0 : i32
      %parallel_loop3A_89 = arith.cmpi eq, %parallel_loop3A_87, %parallel_loop3A_88 : i32
      %parallel_loop3A_90 = arith.constant 1 : i32
      %parallel_loop3A_91 = arith.select %parallel_loop3A_89, %parallel_loop3A_90, %parallel_loop3A_87 : i32
      %parallel_loop3A_92 = arith.remsi %parallel_loop3A_62, %parallel_loop3A_91 : i32
      %parallel_loop3A_93 = arith.constant 0 : i32
      %parallel_loop3A_94 = arith.cmpi ne, %parallel_loop3A_92, %parallel_loop3A_93 : i32
      %parallel_loop3A_95 = arith.constant 0 : i32
      %parallel_loop3A_96 = arith.cmpi slt, %parallel_loop3A_92, %parallel_loop3A_95 : i32
      %parallel_loop3A_97 = arith.constant 0 : i32
      %parallel_loop3A_98 = arith.cmpi slt, %parallel_loop3A_91, %parallel_loop3A_97 : i32
      %parallel_loop3A_99 = arith.xori %parallel_loop3A_96, %parallel_loop3A_98 : i1
      %parallel_loop3A_100 = arith.andi %parallel_loop3A_99, %parallel_loop3A_94 : i1
      %parallel_loop3A_101 = arith.addi %parallel_loop3A_92, %parallel_loop3A_91 : i32
      %parallel_loop3A_102 = arith.select %parallel_loop3A_100, %parallel_loop3A_101, %parallel_loop3A_92 : i32
      %parallel_loop3A_103 = arith.constant 16 : i32
      %parallel_loop3A_104 = arith.muli %parallel_loop3A_102, %parallel_loop3A_103 : i32
      %parallel_loop3A_105 = arith.constant 0 : i32
      %parallel_loop3A_106 = arith.index_cast %parallel_loop3A_105 : i32 to index
      %parallel_loop3A_107 = arith.index_cast %parallel_loop3A_86 : i32 to index
      %parallel_loop3A_108 = arith.index_cast %parallel_loop3A_104 : i32 to index
      %parallel_loop3A_109 = tpu.vector_load %arg5[%parallel_loop3A_106, %parallel_loop3A_107, %parallel_loop3A_108] {strides = array<i32>} : memref<2x4x128xi32, #tpu.memory_space<vmem>>, vector<16xi32>,
      %parallel_loop3A_110 = arith.constant 16 : i32
      %parallel_loop3A_111 = arith.muli %parallel_loop3A_62, %parallel_loop3A_110 : i32
      %parallel_loop3A_112 = arith.constant 0 : i32
      %parallel_loop3A_113 = arith.index_cast %parallel_loop3A_112 : i32 to index
      %parallel_loop3A_114 = arith.index_cast %parallel_loop3A_111 : i32 to index
      %parallel_loop3A_115 = tpu.vector_load %arg6[%parallel_loop3A_113, %parallel_loop3A_114] {strides = array<i32>} : memref<2x512xi32, #tpu.memory_space<vmem>>, vector<16xi32>,
      tpu.vector_store %arg6[%parallel_loop3A_113, %parallel_loop3A_114], %parallel_loop3A_109 {strides = array<i32>} : memref<2x512xi32, #tpu.memory_space<vmem>>, vector<16xi32>,
    } {sc.loop_unroll_factor = 4 : i64, sc.parallel_access}
    %dma_start3A = arith.constant 0 : i32
    %dma_start3A_5 = arith.constant 0 : i32
    %dma_start3A_6 = arith.constant 0 : i32
    %dma_start3A_7 = arith.constant 0 : i32
    %dma_start3A_8 = arith.constant 0 : i32
    %dma_start3A_9 = tpu.memref_slice %arg7[%dma_start3A_5, %dma_start3A_7, %dma_start3A_8] : memref<2x512x64xf32, #tpu.memory_space<vmem>> -> memref<1x512x64xf32, #tpu.memory_space<vmem>>
    %dma_start3A_10 = tpu.memref_squeeze %dma_start3A_9 : memref<1x512x64xf32, #tpu.memory_space<vmem>> -> memref<512x64xf32, #tpu.memory_space<vmem>>
    %dma_start3A_11 = arith.constant 0 : i32
    %dma_start3A_12 = tpu.memref_slice %arg6[%dma_start3A, %dma_start3A_11] : memref<2x512xi32, #tpu.memory_space<vmem>> -> memref<1x512xi32, #tpu.memory_space<vmem>>
    %dma_start3A_13 = tpu.memref_squeeze %dma_start3A_12 : memref<1x512xi32, #tpu.memory_space<vmem>> -> memref<512xi32, #tpu.memory_space<vmem>>
    %dma_start3A_14 = arith.constant 0 : i32
    %dma_start3A_15 = arith.constant 0 : i32
    %dma_start3A_16 = tpu.memref_slice %arg3[%dma_start3A_14, %dma_start3A_15] : memref<1000000x64xf32, #tpu.memory_space<hbm>> -> memref<1000000x64xf32, #tpu.memory_space<hbm>>
    %dma_start3A_17 = tpu.memref_slice %arg9[%dma_start3A_6] : memref<2x!tpu.dma_semaphore, #tpu.memory_space<semaphore_mem>> -> memref<1x!tpu.dma_semaphore, #tpu.memory_space<semaphore_mem>>
    %dma_start3A_18 = tpu.memref_squeeze %dma_start3A_17 : memref<1x!tpu.dma_semaphore, #tpu.memory_space<semaphore_mem>> -> memref<!tpu.dma_semaphore, #tpu.memory_space<semaphore_mem>>
    tpu.enqueue_indirect_dma source(%dma_start3A_16 : memref<1000000x64xf32, #tpu.memory_space<hbm>>) target(%dma_start3A_10 : memref<512x64xf32, #tpu.memory_space<vmem>>) offsets(%dma_start3A_13 : memref<512xi32, #tpu.memory_space<vmem>>) semaphore(%dma_start3A_18 : memref<!tpu.dma_semaphore, #tpu.memory_space<semaphore_mem>>)
    %iota3A = tpu.iota {dimensions = array<i32: 0>} : vector<16xi32>
    %scan3A = arith.constant 0 : i32
    %scan3A_19 = arith.constant 0 : i32
    %scan3A_20 = arith.constant 50 : i32
    %scan3A_21 = arith.addi %scan3A_19, %scan3A_20 : i32
    %scan3A_22 = arith.constant 1 : i32
    scf.for %scan3A_62 = %scan3A_19 to %scan3A_21 step %scan3A_22  : i32 {
      %rem3A_63 = arith.constant 2 : i32
      %rem3A_64 = arith.remsi %scan3A_62, %rem3A_63 : i32
      %add3A_65 = arith.constant 1 : i32
      %add3A_66 = arith.addi %scan3A_62, %add3A_65 : i32
      %rem3A_67 = arith.constant 2 : i32
      %rem3A_68 = arith.remsi %add3A_66, %rem3A_67 : i32
      %add3A_69 = arith.constant 1 : i32
      %add3A_70 = arith.addi %scan3A_62, %add3A_69 : i32
      %lt3A = arith.constant 50 : i32
      %lt3A_71 = arith.cmpi slt, %add3A_70, %lt3A : i32
      %convert_element_type3A = arith.extui %lt3A_71 : i1 to i32
      %cond3A = arith.constant 0 : i32
      %cond3A_72 = arith.cmpi ne, %convert_element_type3A, %cond3A : i32
      scf.if %cond3A_72 {
        %add3A_204 = arith.constant 1 : i32
        %add3A_205 = arith.addi %scan3A_62, %add3A_204 : i32
        %mul3A_206 = arith.constant 4 : i32
        %mul3A_207 = arith.muli %add3A_205, %mul3A_206 : i32
        "tpu.region"() ({
          %run_scoped3A_225 = tpu.sem_alloc : memref<!tpu.dma_semaphore, #tpu.memory_space<semaphore_mem>>
          %dma_start3A_226 = arith.constant 0 : i32
          %dma_start3A_227 = arith.constant 0 : i32
          %dma_start3A_228 = tpu.memref_slice %arg5[%rem3A_68, %dma_start3A_226, %dma_start3A_227] : memref<2x4x128xi32, #tpu.memory_space<vmem>> -> memref<1x4x128xi32, #tpu.memory_space<vmem>>
          %dma_start3A_229 = tpu.memref_squeeze %dma_start3A_228 : memref<1x4x128xi32, #tpu.memory_space<vmem>> -> memref<4x128xi32, #tpu.memory_space<vmem>>
          %dma_start3A_230 = tpu.memref_slice %arg2[%mul3A_207, %mul3A_2] : memref<200x4096xi32, #tpu.memory_space<hbm>> -> memref<4x128xi32, #tpu.memory_space<hbm>>
          %dma_start3A_231 = arith.constant 0 : i32
          %dma_start3A_232 = arith.constant 0 : i32
          %dma_start3A_233 = tpu.memref_slice %arg5[%rem3A_68, %dma_start3A_231, %dma_start3A_232] : memref<2x4x128xi32, #tpu.memory_space<vmem>> -> memref<1x4x128xi32, #tpu.memory_space<vmem>>
          %dma_start3A_234 = tpu.memref_squeeze %dma_start3A_233 : memref<1x4x128xi32, #tpu.memory_space<vmem>> -> memref<4x128xi32, #tpu.memory_space<vmem>>
          %dma_start3A_235 = tpu.memref_slice %arg2[%mul3A_207, %mul3A_2] : memref<200x4096xi32, #tpu.memory_space<hbm>> -> memref<4x128xi32, #tpu.memory_space<hbm>>
          tpu.enqueue_dma source(%dma_start3A_235 : memref<4x128xi32, #tpu.memory_space<hbm>>) target(%dma_start3A_234 : memref<4x128xi32, #tpu.memory_space<vmem>>) target_semaphore(%run_scoped3A_225 : memref<!tpu.dma_semaphore, #tpu.memory_space<semaphore_mem>>)
          %dma_wait3A_236 = arith.constant 0 : i32
          %dma_wait3A_237 = arith.constant 0 : i32
          %dma_wait3A_238 = tpu.memref_slice %arg5[%rem3A_68, %dma_wait3A_236, %dma_wait3A_237] : memref<2x4x128xi32, #tpu.memory_space<vmem>> -> memref<1x4x128xi32, #tpu.memory_space<vmem>>
          %dma_wait3A_239 = tpu.memref_squeeze %dma_wait3A_238 : memref<1x4x128xi32, #tpu.memory_space<vmem>> -> memref<4x128xi32, #tpu.memory_space<vmem>>
          %dma_wait3A_240 = tpu.memref_slice %arg2[%mul3A_207, %mul3A_2] : memref<200x4096xi32, #tpu.memory_space<hbm>> -> memref<4x128xi32, #tpu.memory_space<hbm>>
          %dma_wait3A_241 = arith.constant 0 : i32
          %dma_wait3A_242 = arith.constant 0 : i32
          %dma_wait3A_243 = tpu.memref_slice %arg5[%rem3A_68, %dma_wait3A_241, %dma_wait3A_242] : memref<2x4x128xi32, #tpu.memory_space<vmem>> -> memref<1x4x128xi32, #tpu.memory_space<vmem>>
          %dma_wait3A_244 = tpu.memref_squeeze %dma_wait3A_243 : memref<1x4x128xi32, #tpu.memory_space<vmem>> -> memref<4x128xi32, #tpu.memory_space<vmem>>
          %dma_wait3A_245 = tpu.memref_slice %arg2[%mul3A_207, %mul3A_2] : memref<200x4096xi32, #tpu.memory_space<hbm>> -> memref<4x128xi32, #tpu.memory_space<hbm>>
          tpu.wait_dma2 semaphore(%run_scoped3A_225 : memref<!tpu.dma_semaphore, #tpu.memory_space<semaphore_mem>>) src(%dma_wait3A_245 : memref<4x128xi32, #tpu.memory_space<hbm>>) dst(%dma_wait3A_244 : memref<4x128xi32, #tpu.memory_space<vmem>>)
          tpu.yield
        }) : () -> ()
        %parallel_loop3A_208 = arith.constant 0 : i32
        %parallel_loop3A_209 = arith.constant 32 : i32
        %parallel_loop3A_210 = arith.constant 1 : i32
        scf.for %parallel_loop3A_225 = %parallel_loop3A_208 to %parallel_loop3A_209 step %parallel_loop3A_210  : i32 {
          %parallel_loop3A_226 = arith.constant 8 : i32
          %parallel_loop3A_227 = arith.divsi %parallel_loop3A_225, %parallel_loop3A_226 : i32
          %parallel_loop3A_228 = arith.constant 0 : i32
          %parallel_loop3A_229 = arith.cmpi sgt, %parallel_loop3A_225, %parallel_loop3A_228 : i32
          %parallel_loop3A_230 = arith.extui %parallel_loop3A_229 : i1 to i32
          %parallel_loop3A_231 = arith.constant 0 : i32
          %parallel_loop3A_232 = arith.cmpi slt, %parallel_loop3A_225, %parallel_loop3A_231 : i32
          %parallel_loop3A_233 = arith.extui %parallel_loop3A_232 : i1 to i32
          %parallel_loop3A_234 = arith.subi %parallel_loop3A_230, %parallel_loop3A_233 : i32
          %parallel_loop3A_235 = arith.constant 0 : i32
          %parallel_loop3A_236 = arith.cmpi sgt, %parallel_loop3A_226, %parallel_loop3A_235 : i32
          %parallel_loop3A_237 = arith.extui %parallel_loop3A_236 : i1 to i32
          %parallel_loop3A_238 = arith.constant 0 : i32
          %parallel_loop3A_239 = arith.cmpi slt, %parallel_loop3A_226, %parallel_loop3A_238 : i32
          %parallel_loop3A_240 = arith.extui %parallel_loop3A_239 : i1 to i32
          %parallel_loop3A_241 = arith.subi %parallel_loop3A_237, %parallel_loop3A_240 : i32
          %parallel_loop3A_242 = arith.cmpi ne, %parallel_loop3A_234, %parallel_loop3A_241 : i32
          %parallel_loop3A_243 = arith.remsi %parallel_loop3A_225, %parallel_loop3A_226 : i32
          %parallel_loop3A_244 = arith.constant 0 : i32
          %parallel_loop3A_245 = arith.cmpi ne, %parallel_loop3A_243, %parallel_loop3A_244 : i32
          %parallel_loop3A_246 = arith.andi %parallel_loop3A_242, %parallel_loop3A_245 : i1
          %parallel_loop3A_247 = arith.constant 1 : i32
          %parallel_loop3A_248 = arith.subi %parallel_loop3A_227, %parallel_loop3A_247 : i32
          %parallel_loop3A_249 = arith.select %parallel_loop3A_246, %parallel_loop3A_248, %parallel_loop3A_227 : i32
          %parallel_loop3A_250 = arith.constant 8 : i32
          %parallel_loop3A_251 = arith.constant 0 : i32
          %parallel_loop3A_252 = arith.cmpi eq, %parallel_loop3A_250, %parallel_loop3A_251 : i32
          %parallel_loop3A_253 = arith.constant 1 : i32
          %parallel_loop3A_254 = arith.select %parallel_loop3A_252, %parallel_loop3A_253, %parallel_loop3A_250 : i32
          %parallel_loop3A_255 = arith.remsi %parallel_loop3A_225, %parallel_loop3A_254 : i32
          %parallel_loop3A_256 = arith.constant 0 : i32
          %parallel_loop3A_257 = arith.cmpi ne, %parallel_loop3A_255, %parallel_loop3A_256 : i32
          %parallel_loop3A_258 = arith.constant 0 : i32
          %parallel_loop3A_259 = arith.cmpi slt, %parallel_loop3A_255, %parallel_loop3A_258 : i32
          %parallel_loop3A_260 = arith.constant 0 : i32
          %parallel_loop3A_261 = arith.cmpi slt, %parallel_loop3A_254, %parallel_loop3A_260 : i32
          %parallel_loop3A_262 = arith.xori %parallel_loop3A_259, %parallel_loop3A_261 : i1
          %parallel_loop3A_263 = arith.andi %parallel_loop3A_262, %parallel_loop3A_257 : i1
          %parallel_loop3A_264 = arith.addi %parallel_loop3A_255, %parallel_loop3A_254 : i32
          %parallel_loop3A_265 = arith.select %parallel_loop3A_263, %parallel_loop3A_264, %parallel_loop3A_255 : i32
          %parallel_loop3A_266 = arith.constant 16 : i32
          %parallel_loop3A_267 = arith.muli %parallel_loop3A_265, %parallel_loop3A_266 : i32
          %parallel_loop3A_268 = arith.index_cast %rem3A_68 : i32 to index
          %parallel_loop3A_269 = arith.index_cast %parallel_loop3A_249 : i32 to index
          %parallel_loop3A_270 = arith.index_cast %parallel_loop3A_267 : i32 to index
          %parallel_loop3A_271 = tpu.vector_load %arg5[%parallel_loop3A_268, %parallel_loop3A_269, %parallel_loop3A_270] {strides = array<i32>} : memref<2x4x128xi32, #tpu.memory_space<vmem>>, vector<16xi32>,
          %parallel_loop3A_272 = arith.constant 16 : i32
          %parallel_loop3A_273 = arith.muli %parallel_loop3A_225, %parallel_loop3A_272 : i32
          %parallel_loop3A_274 = arith.index_cast %rem3A_68 : i32 to index
          %parallel_loop3A_275 = arith.index_cast %parallel_loop3A_273 : i32 to index
          %parallel_loop3A_276 = tpu.vector_load %arg6[%parallel_loop3A_274, %parallel_loop3A_275] {strides = array<i32>} : memref<2x512xi32, #tpu.memory_space<vmem>>, vector<16xi32>,
          tpu.vector_store %arg6[%parallel_loop3A_274, %parallel_loop3A_275], %parallel_loop3A_271 {strides = array<i32>} : memref<2x512xi32, #tpu.memory_space<vmem>>, vector<16xi32>,
        } {sc.loop_unroll_factor = 4 : i64, sc.parallel_access}
        %add3A_211 = arith.constant 1 : i32
        %add3A_212 = arith.addi %scan3A_62, %add3A_211 : i32
        %dma_start3A_213 = arith.constant 0 : i32
        %dma_start3A_214 = arith.constant 0 : i32
        %dma_start3A_215 = tpu.memref_slice %arg7[%rem3A_68, %dma_start3A_213, %dma_start3A_214] : memref<2x512x64xf32, #tpu.memory_space<vmem>> -> memref<1x512x64xf32, #tpu.memory_space<vmem>>
        %dma_start3A_216 = tpu.memref_squeeze %dma_start3A_215 : memref<1x512x64xf32, #tpu.memory_space<vmem>> -> memref<512x64xf32, #tpu.memory_space<vmem>>
        %dma_start3A_217 = arith.constant 0 : i32
        %dma_start3A_218 = tpu.memref_slice %arg6[%rem3A_68, %dma_start3A_217] : memref<2x512xi32, #tpu.memory_space<vmem>> -> memref<1x512xi32, #tpu.memory_space<vmem>>
        %dma_start3A_219 = tpu.memref_squeeze %dma_start3A_218 : memref<1x512xi32, #tpu.memory_space<vmem>> -> memref<512xi32, #tpu.memory_space<vmem>>
        %dma_start3A_220 = arith.constant 0 : i32
        %dma_start3A_221 = arith.constant 0 : i32
        %dma_start3A_222 = tpu.memref_slice %arg3[%dma_start3A_220, %dma_start3A_221] : memref<1000000x64xf32, #tpu.memory_space<hbm>> -> memref<1000000x64xf32, #tpu.memory_space<hbm>>
        %dma_start3A_223 = tpu.memref_slice %arg9[%rem3A_68] : memref<2x!tpu.dma_semaphore, #tpu.memory_space<semaphore_mem>> -> memref<1x!tpu.dma_semaphore, #tpu.memory_space<semaphore_mem>>
        %dma_start3A_224 = tpu.memref_squeeze %dma_start3A_223 : memref<1x!tpu.dma_semaphore, #tpu.memory_space<semaphore_mem>> -> memref<!tpu.dma_semaphore, #tpu.memory_space<semaphore_mem>>
        tpu.enqueue_indirect_dma source(%dma_start3A_222 : memref<1000000x64xf32, #tpu.memory_space<hbm>>) target(%dma_start3A_216 : memref<512x64xf32, #tpu.memory_space<vmem>>) offsets(%dma_start3A_219 : memref<512xi32, #tpu.memory_space<vmem>>) semaphore(%dma_start3A_224 : memref<!tpu.dma_semaphore, #tpu.memory_space<semaphore_mem>>)
      } else {
      }
      %dma_wait3A_73 = arith.constant 0 : i32
      %dma_wait3A_74 = arith.constant 0 : i32
      %dma_wait3A_75 = tpu.memref_slice %arg7[%rem3A_64, %dma_wait3A_73, %dma_wait3A_74] : memref<2x512x64xf32, #tpu.memory_space<vmem>> -> memref<1x512x64xf32, #tpu.memory_space<vmem>>
      %dma_wait3A_76 = tpu.memref_squeeze %dma_wait3A_75 : memref<1x512x64xf32, #tpu.memory_space<vmem>> -> memref<512x64xf32, #tpu.memory_space<vmem>>
      %dma_wait3A_77 = arith.constant 0 : i32
      %dma_wait3A_78 = tpu.memref_slice %arg6[%rem3A_64, %dma_wait3A_77] : memref<2x512xi32, #tpu.memory_space<vmem>> -> memref<1x512xi32, #tpu.memory_space<vmem>>
      %dma_wait3A_79 = tpu.memref_squeeze %dma_wait3A_78 : memref<1x512xi32, #tpu.memory_space<vmem>> -> memref<512xi32, #tpu.memory_space<vmem>>
      %dma_wait3A_80 = arith.constant 0 : i32
      %dma_wait3A_81 = arith.constant 0 : i32
      %dma_wait3A_82 = tpu.memref_slice %arg3[%dma_wait3A_80, %dma_wait3A_81] : memref<1000000x64xf32, #tpu.memory_space<hbm>> -> memref<1000000x64xf32, #tpu.memory_space<hbm>>
      %dma_wait3A_83 = tpu.memref_slice %arg9[%rem3A_64] : memref<2x!tpu.dma_semaphore, #tpu.memory_space<semaphore_mem>> -> memref<1x!tpu.dma_semaphore, #tpu.memory_space<semaphore_mem>>
      %dma_wait3A_84 = tpu.memref_squeeze %dma_wait3A_83 : memref<1x!tpu.dma_semaphore, #tpu.memory_space<semaphore_mem>> -> memref<!tpu.dma_semaphore, #tpu.memory_space<semaphore_mem>>
      tpu.wait_indirect_dma semaphore(%dma_wait3A_84 : memref<!tpu.dma_semaphore, #tpu.memory_space<semaphore_mem>>) src(%dma_wait3A_82 : memref<1000000x64xf32, #tpu.memory_space<hbm>>) dst(%dma_wait3A_76 : memref<512x64xf32, #tpu.memory_space<vmem>>)
      %mul3A_85 = arith.constant 4 : i32
      %mul3A_86 = arith.muli %scan3A_62, %mul3A_85 : i32
      %add3A_87 = arith.constant 0 : i32
      %add3A_88 = arith.addi %mul3A_86, %add3A_87 : i32
      %rem3A_89 = arith.constant 2 : i32
      %rem3A_90 = arith.remsi %add3A_88, %rem3A_89 : i32
      %ge3A = arith.constant 2 : i32
      %ge3A_91 = arith.cmpi sge, %add3A_88, %ge3A : i32
      %convert_element_type3A_92 = arith.extui %ge3A_91 : i1 to i32
      %cond3A_93 = arith.constant 0 : i32
      %cond3A_94 = arith.cmpi ne, %convert_element_type3A_92, %cond3A_93 : i32
      scf.if %cond3A_94 {
        %sub3A = arith.constant 2 : i32
        %sub3A_204 = arith.subi %add3A_88, %sub3A : i32
        %dma_wait3A_205 = arith.constant 0 : i32
        %dma_wait3A_206 = arith.constant 0 : i32
        %dma_wait3A_207 = tpu.memref_slice %arg8[%rem3A_90, %dma_wait3A_205, %dma_wait3A_206] : memref<2x64x129xf32, #tpu.memory_space<vmem>> -> memref<1x64x128xf32, #tpu.memory_space<vmem>>
        %dma_wait3A_208 = tpu.memref_squeeze %dma_wait3A_207 : memref<1x64x128xf32, #tpu.memory_space<vmem>> -> memref<64x128xf32, #tpu.memory_space<vmem>>
        %dma_wait3A_209 = arith.constant 0 : i32
        %dma_wait3A_210 = tpu.memref_slice %arg4[%sub3A_204, %dma_wait3A_209, %mul3A_2] : memref<200x64x4096xf32, #tpu.memory_space<hbm>> -> memref<1x64x128xf32, #tpu.memory_space<hbm>>
        %dma_wait3A_211 = tpu.memref_squeeze %dma_wait3A_210 : memref<1x64x128xf32, #tpu.memory_space<hbm>> -> memref<64x128xf32, #tpu.memory_space<hbm>>
        %dma_wait3A_212 = tpu.memref_slice %arg10[%rem3A_90] : memref<2x!tpu.dma_semaphore, #tpu.memory_space<semaphore_mem>> -> memref<1x!tpu.dma_semaphore, #tpu.memory_space<semaphore_mem>>
        %dma_wait3A_213 = tpu.memref_squeeze %dma_wait3A_212 : memref<1x!tpu.dma_semaphore, #tpu.memory_space<semaphore_mem>> -> memref<!tpu.dma_semaphore, #tpu.memory_space<semaphore_mem>>
        %dma_wait3A_214 = arith.constant 0 : i32
        %dma_wait3A_215 = tpu.memref_slice %arg4[%sub3A_204, %dma_wait3A_214, %mul3A_2] : memref<200x64x4096xf32, #tpu.memory_space<hbm>> -> memref<1x64x128xf32, #tpu.memory_space<hbm>>
        %dma_wait3A_216 = tpu.memref_squeeze %dma_wait3A_215 : memref<1x64x128xf32, #tpu.memory_space<hbm>> -> memref<64x128xf32, #tpu.memory_space<hbm>>
        %dma_wait3A_217 = arith.constant 0 : i32
        %dma_wait3A_218 = arith.constant 0 : i32
        %dma_wait3A_219 = tpu.memref_slice %arg8[%rem3A_90, %dma_wait3A_217, %dma_wait3A_218] : memref<2x64x129xf32, #tpu.memory_space<vmem>> -> memref<1x64x128xf32, #tpu.memory_space<vmem>>
        %dma_wait3A_220 = tpu.memref_squeeze %dma_wait3A_219 : memref<1x64x128xf32, #tpu.memory_space<vmem>> -> memref<64x128xf32, #tpu.memory_space<vmem>>
        tpu.wait_dma2 semaphore(%dma_wait3A_213 : memref<!tpu.dma_semaphore, #tpu.memory_space<semaphore_mem>>) src(%dma_wait3A_220 : memref<64x128xf32, #tpu.memory_space<vmem>>) dst(%dma_wait3A_216 : memref<64x128xf32, #tpu.memory_space<hbm>>)
      } else {
      }
      %parallel_loop3A_95 = arith.constant 0 : i32
      %parallel_loop3A_96 = arith.constant 128 : i32
      %parallel_loop3A_97 = arith.constant 1 : i32
      scf.for %parallel_loop3A_204 = %parallel_loop3A_95 to %parallel_loop3A_96 step %parallel_loop3A_97  : i32 {
        %parallel_loop3A_205 = vector.broadcast %parallel_loop3A_204 : i32 to vector<16xi32>
        %parallel_loop3A_206 = arith.constant 0 : i32
        %parallel_loop3A_207 = arith.addi %parallel_loop3A_206, %parallel_loop3A_204 : i32
        %parallel_loop3A_208 = arith.index_cast %rem3A_64 : i32 to index
        %parallel_loop3A_209 = arith.index_cast %parallel_loop3A_207 : i32 to index
        %parallel_loop3A_210 = arith.constant 0 : index
        %parallel_loop3A_211 = tpu.vector_load %arg7[%parallel_loop3A_208, %parallel_loop3A_209, %parallel_loop3A_210] {strides = array<i32>} : memref<2x512x64xf32, #tpu.memory_space<vmem>>, vector<16xf32>,
        %parallel_loop3A_212 = arith.constant 8.000000e+00 : f32
        %parallel_loop3A_213 = vector.broadcast %parallel_loop3A_212 : f32 to vector<16xf32>
        %parallel_loop3A_214 = arith.mulf %parallel_loop3A_211, %parallel_loop3A_213 : vector<16xf32>
        %parallel_loop3A_215 = arith.constant 0 : i32
        %parallel_loop3A_216 = vector.broadcast %parallel_loop3A_215 : i32 to vector<16xi32>
        %parallel_loop3A_217 = arith.addi %iota3A, %parallel_loop3A_216 : vector<16xi32>
        %parallel_loop3A_218 = arith.constant 0 : i32
        %parallel_loop3A_219 = arith.constant 0 : i32
        %parallel_loop3A_220 = tpu.memref_slice %arg8[%rem3A_90, %parallel_loop3A_218, %parallel_loop3A_219] : memref<2x64x129xf32, #tpu.memory_space<vmem>> -> memref<1x64x129xf32, #tpu.memory_space<vmem>>
        %parallel_loop3A_221 = tpu.memref_squeeze %parallel_loop3A_220 : memref<1x64x129xf32, #tpu.memory_space<vmem>> -> memref<64x129xf32, #tpu.memory_space<vmem>>
        tpu.vector_store_idx %parallel_loop3A_221[%parallel_loop3A_217, %parallel_loop3A_205], %parallel_loop3A_214 : memref<64x129xf32, #tpu.memory_space<vmem>>[vector<16xi32>, vector<16xi32>], vector<16xf32>,
        %parallel_loop3A_222 = arith.constant 0 : i32
        %parallel_loop3A_223 = arith.addi %parallel_loop3A_222, %parallel_loop3A_204 : i32
        %parallel_loop3A_224 = arith.index_cast %rem3A_64 : i32 to index
        %parallel_loop3A_225 = arith.index_cast %parallel_loop3A_223 : i32 to index
        %parallel_loop3A_226 = arith.constant 16 : index
        %parallel_loop3A_227 = tpu.vector_load %arg7[%parallel_loop3A_224, %parallel_loop3A_225, %parallel_loop3A_226] {strides = array<i32>} : memref<2x512x64xf32, #tpu.memory_space<vmem>>, vector<16xf32>,
        %parallel_loop3A_228 = arith.constant 8.000000e+00 : f32
        %parallel_loop3A_229 = vector.broadcast %parallel_loop3A_228 : f32 to vector<16xf32>
        %parallel_loop3A_230 = arith.mulf %parallel_loop3A_227, %parallel_loop3A_229 : vector<16xf32>
        %parallel_loop3A_231 = arith.constant 16 : i32
        %parallel_loop3A_232 = vector.broadcast %parallel_loop3A_231 : i32 to vector<16xi32>
        %parallel_loop3A_233 = arith.addi %iota3A, %parallel_loop3A_232 : vector<16xi32>
        %parallel_loop3A_234 = arith.constant 0 : i32
        %parallel_loop3A_235 = arith.constant 0 : i32
        %parallel_loop3A_236 = tpu.memref_slice %arg8[%rem3A_90, %parallel_loop3A_234, %parallel_loop3A_235] : memref<2x64x129xf32, #tpu.memory_space<vmem>> -> memref<1x64x129xf32, #tpu.memory_space<vmem>>
        %parallel_loop3A_237 = tpu.memref_squeeze %parallel_loop3A_236 : memref<1x64x129xf32, #tpu.memory_space<vmem>> -> memref<64x129xf32, #tpu.memory_space<vmem>>
        tpu.vector_store_idx %parallel_loop3A_237[%parallel_loop3A_233, %parallel_loop3A_205], %parallel_loop3A_230 : memref<64x129xf32, #tpu.memory_space<vmem>>[vector<16xi32>, vector<16xi32>], vector<16xf32>,
        %parallel_loop3A_238 = arith.constant 0 : i32
        %parallel_loop3A_239 = arith.addi %parallel_loop3A_238, %parallel_loop3A_204 : i32
        %parallel_loop3A_240 = arith.index_cast %rem3A_64 : i32 to index
        %parallel_loop3A_241 = arith.index_cast %parallel_loop3A_239 : i32 to index
        %parallel_loop3A_242 = arith.constant 32 : index
        %parallel_loop3A_243 = tpu.vector_load %arg7[%parallel_loop3A_240, %parallel_loop3A_241, %parallel_loop3A_242] {strides = array<i32>} : memref<2x512x64xf32, #tpu.memory_space<vmem>>, vector<16xf32>,
        %parallel_loop3A_244 = arith.constant 8.000000e+00 : f32
        %parallel_loop3A_245 = vector.broadcast %parallel_loop3A_244 : f32 to vector<16xf32>
        %parallel_loop3A_246 = arith.mulf %parallel_loop3A_243, %parallel_loop3A_245 : vector<16xf32>
        %parallel_loop3A_247 = arith.constant 32 : i32
        %parallel_loop3A_248 = vector.broadcast %parallel_loop3A_247 : i32 to vector<16xi32>
        %parallel_loop3A_249 = arith.addi %iota3A, %parallel_loop3A_248 : vector<16xi32>
        %parallel_loop3A_250 = arith.constant 0 : i32
        %parallel_loop3A_251 = arith.constant 0 : i32
        %parallel_loop3A_252 = tpu.memref_slice %arg8[%rem3A_90, %parallel_loop3A_250, %parallel_loop3A_251] : memref<2x64x129xf32, #tpu.memory_space<vmem>> -> memref<1x64x129xf32, #tpu.memory_space<vmem>>
        %parallel_loop3A_253 = tpu.memref_squeeze %parallel_loop3A_252 : memref<1x64x129xf32, #tpu.memory_space<vmem>> -> memref<64x129xf32, #tpu.memory_space<vmem>>
        tpu.vector_store_idx %parallel_loop3A_253[%parallel_loop3A_249, %parallel_loop3A_205], %parallel_loop3A_246 : memref<64x129xf32, #tpu.memory_space<vmem>>[vector<16xi32>, vector<16xi32>], vector<16xf32>,
        %parallel_loop3A_254 = arith.constant 0 : i32
        %parallel_loop3A_255 = arith.addi %parallel_loop3A_254, %parallel_loop3A_204 : i32
        %parallel_loop3A_256 = arith.index_cast %rem3A_64 : i32 to index
        %parallel_loop3A_257 = arith.index_cast %parallel_loop3A_255 : i32 to index
        %parallel_loop3A_258 = arith.constant 48 : index
        %parallel_loop3A_259 = tpu.vector_load %arg7[%parallel_loop3A_256, %parallel_loop3A_257, %parallel_loop3A_258] {strides = array<i32>} : memref<2x512x64xf32, #tpu.memory_space<vmem>>, vector<16xf32>,
        %parallel_loop3A_260 = arith.constant 8.000000e+00 : f32
        %parallel_loop3A_261 = vector.broadcast %parallel_loop3A_260 : f32 to vector<16xf32>
        %parallel_loop3A_262 = arith.mulf %parallel_loop3A_259, %parallel_loop3A_261 : vector<16xf32>
        %parallel_loop3A_263 = arith.constant 48 : i32
        %parallel_loop3A_264 = vector.broadcast %parallel_loop3A_263 : i32 to vector<16xi32>
        %parallel_loop3A_265 = arith.addi %iota3A, %parallel_loop3A_264 : vector<16xi32>
        %parallel_loop3A_266 = arith.constant 0 : i32
        %parallel_loop3A_267 = arith.constant 0 : i32
        %parallel_loop3A_268 = tpu.memref_slice %arg8[%rem3A_90, %parallel_loop3A_266, %parallel_loop3A_267] : memref<2x64x129xf32, #tpu.memory_space<vmem>> -> memref<1x64x129xf32, #tpu.memory_space<vmem>>
        %parallel_loop3A_269 = tpu.memref_squeeze %parallel_loop3A_268 : memref<1x64x129xf32, #tpu.memory_space<vmem>> -> memref<64x129xf32, #tpu.memory_space<vmem>>
        tpu.vector_store_idx %parallel_loop3A_269[%parallel_loop3A_265, %parallel_loop3A_205], %parallel_loop3A_262 : memref<64x129xf32, #tpu.memory_space<vmem>>[vector<16xi32>, vector<16xi32>], vector<16xf32>,
      } {sc.loop_unroll_factor = 2 : i64, sc.parallel_access}
      %dma_start3A_98 = arith.constant 0 : i32
      %dma_start3A_99 = arith.constant 0 : i32
      %dma_start3A_100 = tpu.memref_slice %arg8[%rem3A_90, %dma_start3A_98, %dma_start3A_99] : memref<2x64x129xf32, #tpu.memory_space<vmem>> -> memref<1x64x128xf32, #tpu.memory_space<vmem>>
      %dma_start3A_101 = tpu.memref_squeeze %dma_start3A_100 : memref<1x64x128xf32, #tpu.memory_space<vmem>> -> memref<64x128xf32, #tpu.memory_space<vmem>>
      %dma_start3A_102 = arith.constant 0 : i32
      %dma_start3A_103 = tpu.memref_slice %arg4[%add3A_88, %dma_start3A_102, %mul3A_2] : memref<200x64x4096xf32, #tpu.memory_space<hbm>> -> memref<1x64x128xf32, #tpu.memory_space<hbm>>
      %dma_start3A_104 = tpu.memref_squeeze %dma_start3A_103 : memref<1x64x128xf32, #tpu.memory_space<hbm>> -> memref<64x128xf32, #tpu.memory_space<hbm>>
      %dma_start3A_105 = tpu.memref_slice %arg10[%rem3A_90] : memref<2x!tpu.dma_semaphore, #tpu.memory_space<semaphore_mem>> -> memref<1x!tpu.dma_semaphore, #tpu.memory_space<semaphore_mem>>
      %dma_start3A_106 = tpu.memref_squeeze %dma_start3A_105 : memref<1x!tpu.dma_semaphore, #tpu.memory_space<semaphore_mem>> -> memref<!tpu.dma_semaphore, #tpu.memory_space<semaphore_mem>>
      %dma_start3A_107 = arith.constant 0 : i32
      %dma_start3A_108 = tpu.memref_slice %arg4[%add3A_88, %dma_start3A_107, %mul3A_2] : memref<200x64x4096xf32, #tpu.memory_space<hbm>> -> memref<1x64x128xf32, #tpu.memory_space<hbm>>
      %dma_start3A_109 = tpu.memref_squeeze %dma_start3A_108 : memref<1x64x128xf32, #tpu.memory_space<hbm>> -> memref<64x128xf32, #tpu.memory_space<hbm>>
      %dma_start3A_110 = arith.constant 0 : i32
      %dma_start3A_111 = arith.constant 0 : i32
      %dma_start3A_112 = tpu.memref_slice %arg8[%rem3A_90, %dma_start3A_110, %dma_start3A_111] : memref<2x64x129xf32, #tpu.memory_space<vmem>> -> memref<1x64x128xf32, #tpu.memory_space<vmem>>
      %dma_start3A_113 = tpu.memref_squeeze %dma_start3A_112 : memref<1x64x128xf32, #tpu.memory_space<vmem>> -> memref<64x128xf32, #tpu.memory_space<vmem>>
      tpu.enqueue_dma source(%dma_start3A_113 : memref<64x128xf32, #tpu.memory_space<vmem>>) target(%dma_start3A_109 : memref<64x128xf32, #tpu.memory_space<hbm>>) target_semaphore(%dma_start3A_106 : memref<!tpu.dma_semaphore, #tpu.memory_space<semaphore_mem>>)
      %mul3A_114 = arith.constant 4 : i32
      %mul3A_115 = arith.muli %scan3A_62, %mul3A_114 : i32
      %add3A_116 = arith.constant 1 : i32
      %add3A_117 = arith.addi %mul3A_115, %add3A_116 : i32
      %rem3A_118 = arith.constant 2 : i32
      %rem3A_119 = arith.remsi %add3A_117, %rem3A_118 : i32
      %ge3A_120 = arith.constant 2 : i32
      %ge3A_121 = arith.cmpi sge, %add3A_117, %ge3A_120 : i32
      %convert_element_type3A_122 = arith.extui %ge3A_121 : i1 to i32
      %cond3A_123 = arith.constant 0 : i32
      %cond3A_124 = arith.cmpi ne, %convert_element_type3A_122, %cond3A_123 : i32
      scf.if %cond3A_124 {
        %sub3A = arith.constant 2 : i32
        %sub3A_204 = arith.subi %add3A_117, %sub3A : i32
        %dma_wait3A_205 = arith.constant 0 : i32
        %dma_wait3A_206 = arith.constant 0 : i32
        %dma_wait3A_207 = tpu.memref_slice %arg8[%rem3A_119, %dma_wait3A_205, %dma_wait3A_206] : memref<2x64x129xf32, #tpu.memory_space<vmem>> -> memref<1x64x128xf32, #tpu.memory_space<vmem>>
        %dma_wait3A_208 = tpu.memref_squeeze %dma_wait3A_207 : memref<1x64x128xf32, #tpu.memory_space<vmem>> -> memref<64x128xf32, #tpu.memory_space<vmem>>
        %dma_wait3A_209 = arith.constant 0 : i32
        %dma_wait3A_210 = tpu.memref_slice %arg4[%sub3A_204, %dma_wait3A_209, %mul3A_2] : memref<200x64x4096xf32, #tpu.memory_space<hbm>> -> memref<1x64x128xf32, #tpu.memory_space<hbm>>
        %dma_wait3A_211 = tpu.memref_squeeze %dma_wait3A_210 : memref<1x64x128xf32, #tpu.memory_space<hbm>> -> memref<64x128xf32, #tpu.memory_space<hbm>>
        %dma_wait3A_212 = tpu.memref_slice %arg10[%rem3A_119] : memref<2x!tpu.dma_semaphore, #tpu.memory_space<semaphore_mem>> -> memref<1x!tpu.dma_semaphore, #tpu.memory_space<semaphore_mem>>
        %dma_wait3A_213 = tpu.memref_squeeze %dma_wait3A_212 : memref<1x!tpu.dma_semaphore, #tpu.memory_space<semaphore_mem>> -> memref<!tpu.dma_semaphore, #tpu.memory_space<semaphore_mem>>
        %dma_wait3A_214 = arith.constant 0 : i32
        %dma_wait3A_215 = tpu.memref_slice %arg4[%sub3A_204, %dma_wait3A_214, %mul3A_2] : memref<200x64x4096xf32, #tpu.memory_space<hbm>> -> memref<1x64x128xf32, #tpu.memory_space<hbm>>
        %dma_wait3A_216 = tpu.memref_squeeze %dma_wait3A_215 : memref<1x64x128xf32, #tpu.memory_space<hbm>> -> memref<64x128xf32, #tpu.memory_space<hbm>>
        %dma_wait3A_217 = arith.constant 0 : i32
        %dma_wait3A_218 = arith.constant 0 : i32
        %dma_wait3A_219 = tpu.memref_slice %arg8[%rem3A_119, %dma_wait3A_217, %dma_wait3A_218] : memref<2x64x129xf32, #tpu.memory_space<vmem>> -> memref<1x64x128xf32, #tpu.memory_space<vmem>>
        %dma_wait3A_220 = tpu.memref_squeeze %dma_wait3A_219 : memref<1x64x128xf32, #tpu.memory_space<vmem>> -> memref<64x128xf32, #tpu.memory_space<vmem>>
        tpu.wait_dma2 semaphore(%dma_wait3A_213 : memref<!tpu.dma_semaphore, #tpu.memory_space<semaphore_mem>>) src(%dma_wait3A_220 : memref<64x128xf32, #tpu.memory_space<vmem>>) dst(%dma_wait3A_216 : memref<64x128xf32, #tpu.memory_space<hbm>>)
      } else {
      }
      %parallel_loop3A_125 = arith.constant 0 : i32
      %parallel_loop3A_126 = arith.constant 128 : i32
      %parallel_loop3A_127 = arith.constant 1 : i32
      scf.for %parallel_loop3A_204 = %parallel_loop3A_125 to %parallel_loop3A_126 step %parallel_loop3A_127  : i32 {
        %parallel_loop3A_205 = vector.broadcast %parallel_loop3A_204 : i32 to vector<16xi32>
        %parallel_loop3A_206 = arith.constant 128 : i32
        %parallel_loop3A_207 = arith.addi %parallel_loop3A_206, %parallel_loop3A_204 : i32
        %parallel_loop3A_208 = arith.index_cast %rem3A_64 : i32 to index
        %parallel_loop3A_209 = arith.index_cast %parallel_loop3A_207 : i32 to index
        %parallel_loop3A_210 = arith.constant 0 : index
        %parallel_loop3A_211 = tpu.vector_load %arg7[%parallel_loop3A_208, %parallel_loop3A_209, %parallel_loop3A_210] {strides = array<i32>} : memref<2x512x64xf32, #tpu.memory_space<vmem>>, vector<16xf32>,
        %parallel_loop3A_212 = arith.constant 8.000000e+00 : f32
        %parallel_loop3A_213 = vector.broadcast %parallel_loop3A_212 : f32 to vector<16xf32>
        %parallel_loop3A_214 = arith.mulf %parallel_loop3A_211, %parallel_loop3A_213 : vector<16xf32>
        %parallel_loop3A_215 = arith.constant 0 : i32
        %parallel_loop3A_216 = vector.broadcast %parallel_loop3A_215 : i32 to vector<16xi32>
        %parallel_loop3A_217 = arith.addi %iota3A, %parallel_loop3A_216 : vector<16xi32>
        %parallel_loop3A_218 = arith.constant 0 : i32
        %parallel_loop3A_219 = arith.constant 0 : i32
        %parallel_loop3A_220 = tpu.memref_slice %arg8[%rem3A_119, %parallel_loop3A_218, %parallel_loop3A_219] : memref<2x64x129xf32, #tpu.memory_space<vmem>> -> memref<1x64x129xf32, #tpu.memory_space<vmem>>
        %parallel_loop3A_221 = tpu.memref_squeeze %parallel_loop3A_220 : memref<1x64x129xf32, #tpu.memory_space<vmem>> -> memref<64x129xf32, #tpu.memory_space<vmem>>
        tpu.vector_store_idx %parallel_loop3A_221[%parallel_loop3A_217, %parallel_loop3A_205], %parallel_loop3A_214 : memref<64x129xf32, #tpu.memory_space<vmem>>[vector<16xi32>, vector<16xi32>], vector<16xf32>,
        %parallel_loop3A_222 = arith.constant 128 : i32
        %parallel_loop3A_223 = arith.addi %parallel_loop3A_222, %parallel_loop3A_204 : i32
        %parallel_loop3A_224 = arith.index_cast %rem3A_64 : i32 to index
        %parallel_loop3A_225 = arith.index_cast %parallel_loop3A_223 : i32 to index
        %parallel_loop3A_226 = arith.constant 16 : index
        %parallel_loop3A_227 = tpu.vector_load %arg7[%parallel_loop3A_224, %parallel_loop3A_225, %parallel_loop3A_226] {strides = array<i32>} : memref<2x512x64xf32, #tpu.memory_space<vmem>>, vector<16xf32>,
        %parallel_loop3A_228 = arith.constant 8.000000e+00 : f32
        %parallel_loop3A_229 = vector.broadcast %parallel_loop3A_228 : f32 to vector<16xf32>
        %parallel_loop3A_230 = arith.mulf %parallel_loop3A_227, %parallel_loop3A_229 : vector<16xf32>
        %parallel_loop3A_231 = arith.constant 16 : i32
        %parallel_loop3A_232 = vector.broadcast %parallel_loop3A_231 : i32 to vector<16xi32>
        %parallel_loop3A_233 = arith.addi %iota3A, %parallel_loop3A_232 : vector<16xi32>
        %parallel_loop3A_234 = arith.constant 0 : i32
        %parallel_loop3A_235 = arith.constant 0 : i32
        %parallel_loop3A_236 = tpu.memref_slice %arg8[%rem3A_119, %parallel_loop3A_234, %parallel_loop3A_235] : memref<2x64x129xf32, #tpu.memory_space<vmem>> -> memref<1x64x129xf32, #tpu.memory_space<vmem>>
        %parallel_loop3A_237 = tpu.memref_squeeze %parallel_loop3A_236 : memref<1x64x129xf32, #tpu.memory_space<vmem>> -> memref<64x129xf32, #tpu.memory_space<vmem>>
        tpu.vector_store_idx %parallel_loop3A_237[%parallel_loop3A_233, %parallel_loop3A_205], %parallel_loop3A_230 : memref<64x129xf32, #tpu.memory_space<vmem>>[vector<16xi32>, vector<16xi32>], vector<16xf32>,
        %parallel_loop3A_238 = arith.constant 128 : i32
        %parallel_loop3A_239 = arith.addi %parallel_loop3A_238, %parallel_loop3A_204 : i32
        %parallel_loop3A_240 = arith.index_cast %rem3A_64 : i32 to index
        %parallel_loop3A_241 = arith.index_cast %parallel_loop3A_239 : i32 to index
        %parallel_loop3A_242 = arith.constant 32 : index
        %parallel_loop3A_243 = tpu.vector_load %arg7[%parallel_loop3A_240, %parallel_loop3A_241, %parallel_loop3A_242] {strides = array<i32>} : memref<2x512x64xf32, #tpu.memory_space<vmem>>, vector<16xf32>,
        %parallel_loop3A_244 = arith.constant 8.000000e+00 : f32
        %parallel_loop3A_245 = vector.broadcast %parallel_loop3A_244 : f32 to vector<16xf32>
        %parallel_loop3A_246 = arith.mulf %parallel_loop3A_243, %parallel_loop3A_245 : vector<16xf32>
        %parallel_loop3A_247 = arith.constant 32 : i32
        %parallel_loop3A_248 = vector.broadcast %parallel_loop3A_247 : i32 to vector<16xi32>
        %parallel_loop3A_249 = arith.addi %iota3A, %parallel_loop3A_248 : vector<16xi32>
        %parallel_loop3A_250 = arith.constant 0 : i32
        %parallel_loop3A_251 = arith.constant 0 : i32
        %parallel_loop3A_252 = tpu.memref_slice %arg8[%rem3A_119, %parallel_loop3A_250, %parallel_loop3A_251] : memref<2x64x129xf32, #tpu.memory_space<vmem>> -> memref<1x64x129xf32, #tpu.memory_space<vmem>>
        %parallel_loop3A_253 = tpu.memref_squeeze %parallel_loop3A_252 : memref<1x64x129xf32, #tpu.memory_space<vmem>> -> memref<64x129xf32, #tpu.memory_space<vmem>>
        tpu.vector_store_idx %parallel_loop3A_253[%parallel_loop3A_249, %parallel_loop3A_205], %parallel_loop3A_246 : memref<64x129xf32, #tpu.memory_space<vmem>>[vector<16xi32>, vector<16xi32>], vector<16xf32>,
        %parallel_loop3A_254 = arith.constant 128 : i32
        %parallel_loop3A_255 = arith.addi %parallel_loop3A_254, %parallel_loop3A_204 : i32
        %parallel_loop3A_256 = arith.index_cast %rem3A_64 : i32 to index
        %parallel_loop3A_257 = arith.index_cast %parallel_loop3A_255 : i32 to index
        %parallel_loop3A_258 = arith.constant 48 : index
        %parallel_loop3A_259 = tpu.vector_load %arg7[%parallel_loop3A_256, %parallel_loop3A_257, %parallel_loop3A_258] {strides = array<i32>} : memref<2x512x64xf32, #tpu.memory_space<vmem>>, vector<16xf32>,
        %parallel_loop3A_260 = arith.constant 8.000000e+00 : f32
        %parallel_loop3A_261 = vector.broadcast %parallel_loop3A_260 : f32 to vector<16xf32>
        %parallel_loop3A_262 = arith.mulf %parallel_loop3A_259, %parallel_loop3A_261 : vector<16xf32>
        %parallel_loop3A_263 = arith.constant 48 : i32
        %parallel_loop3A_264 = vector.broadcast %parallel_loop3A_263 : i32 to vector<16xi32>
        %parallel_loop3A_265 = arith.addi %iota3A, %parallel_loop3A_264 : vector<16xi32>
        %parallel_loop3A_266 = arith.constant 0 : i32
        %parallel_loop3A_267 = arith.constant 0 : i32
        %parallel_loop3A_268 = tpu.memref_slice %arg8[%rem3A_119, %parallel_loop3A_266, %parallel_loop3A_267] : memref<2x64x129xf32, #tpu.memory_space<vmem>> -> memref<1x64x129xf32, #tpu.memory_space<vmem>>
        %parallel_loop3A_269 = tpu.memref_squeeze %parallel_loop3A_268 : memref<1x64x129xf32, #tpu.memory_space<vmem>> -> memref<64x129xf32, #tpu.memory_space<vmem>>
        tpu.vector_store_idx %parallel_loop3A_269[%parallel_loop3A_265, %parallel_loop3A_205], %parallel_loop3A_262 : memref<64x129xf32, #tpu.memory_space<vmem>>[vector<16xi32>, vector<16xi32>], vector<16xf32>,
      } {sc.loop_unroll_factor = 2 : i64, sc.parallel_access}
      %dma_start3A_128 = arith.constant 0 : i32
      %dma_start3A_129 = arith.constant 0 : i32
      %dma_start3A_130 = tpu.memref_slice %arg8[%rem3A_119, %dma_start3A_128, %dma_start3A_129] : memref<2x64x129xf32, #tpu.memory_space<vmem>> -> memref<1x64x128xf32, #tpu.memory_space<vmem>>
      %dma_start3A_131 = tpu.memref_squeeze %dma_start3A_130 : memref<1x64x128xf32, #tpu.memory_space<vmem>> -> memref<64x128xf32, #tpu.memory_space<vmem>>
      %dma_start3A_132 = arith.constant 0 : i32
      %dma_start3A_133 = tpu.memref_slice %arg4[%add3A_117, %dma_start3A_132, %mul3A_2] : memref<200x64x4096xf32, #tpu.memory_space<hbm>> -> memref<1x64x128xf32, #tpu.memory_space<hbm>>
      %dma_start3A_134 = tpu.memref_squeeze %dma_start3A_133 : memref<1x64x128xf32, #tpu.memory_space<hbm>> -> memref<64x128xf32, #tpu.memory_space<hbm>>
      %dma_start3A_135 = tpu.memref_slice %arg10[%rem3A_119] : memref<2x!tpu.dma_semaphore, #tpu.memory_space<semaphore_mem>> -> memref<1x!tpu.dma_semaphore, #tpu.memory_space<semaphore_mem>>
      %dma_start3A_136 = tpu.memref_squeeze %dma_start3A_135 : memref<1x!tpu.dma_semaphore, #tpu.memory_space<semaphore_mem>> -> memref<!tpu.dma_semaphore, #tpu.memory_space<semaphore_mem>>
      %dma_start3A_137 = arith.constant 0 : i32
      %dma_start3A_138 = tpu.memref_slice %arg4[%add3A_117, %dma_start3A_137, %mul3A_2] : memref<200x64x4096xf32, #tpu.memory_space<hbm>> -> memref<1x64x128xf32, #tpu.memory_space<hbm>>
      %dma_start3A_139 = tpu.memref_squeeze %dma_start3A_138 : memref<1x64x128xf32, #tpu.memory_space<hbm>> -> memref<64x128xf32, #tpu.memory_space<hbm>>
      %dma_start3A_140 = arith.constant 0 : i32
      %dma_start3A_141 = arith.constant 0 : i32
      %dma_start3A_142 = tpu.memref_slice %arg8[%rem3A_119, %dma_start3A_140, %dma_start3A_141] : memref<2x64x129xf32, #tpu.memory_space<vmem>> -> memref<1x64x128xf32, #tpu.memory_space<vmem>>
      %dma_start3A_143 = tpu.memref_squeeze %dma_start3A_142 : memref<1x64x128xf32, #tpu.memory_space<vmem>> -> memref<64x128xf32, #tpu.memory_space<vmem>>
      tpu.enqueue_dma source(%dma_start3A_143 : memref<64x128xf32, #tpu.memory_space<vmem>>) target(%dma_start3A_139 : memref<64x128xf32, #tpu.memory_space<hbm>>) target_semaphore(%dma_start3A_136 : memref<!tpu.dma_semaphore, #tpu.memory_space<semaphore_mem>>)
      %mul3A_144 = arith.constant 4 : i32
      %mul3A_145 = arith.muli %scan3A_62, %mul3A_144 : i32
      %add3A_146 = arith.constant 2 : i32
      %add3A_147 = arith.addi %mul3A_145, %add3A_146 : i32
      %rem3A_148 = arith.constant 2 : i32
      %rem3A_149 = arith.remsi %add3A_147, %rem3A_148 : i32
      %ge3A_150 = arith.constant 2 : i32
      %ge3A_151 = arith.cmpi sge, %add3A_147, %ge3A_150 : i32
      %convert_element_type3A_152 = arith.extui %ge3A_151 : i1 to i32
      %cond3A_153 = arith.constant 0 : i32
      %cond3A_154 = arith.cmpi ne, %convert_element_type3A_152, %cond3A_153 : i32
      scf.if %cond3A_154 {
        %sub3A = arith.constant 2 : i32
        %sub3A_204 = arith.subi %add3A_147, %sub3A : i32
        %dma_wait3A_205 = arith.constant 0 : i32
        %dma_wait3A_206 = arith.constant 0 : i32
        %dma_wait3A_207 = tpu.memref_slice %arg8[%rem3A_149, %dma_wait3A_205, %dma_wait3A_206] : memref<2x64x129xf32, #tpu.memory_space<vmem>> -> memref<1x64x128xf32, #tpu.memory_space<vmem>>
        %dma_wait3A_208 = tpu.memref_squeeze %dma_wait3A_207 : memref<1x64x128xf32, #tpu.memory_space<vmem>> -> memref<64x128xf32, #tpu.memory_space<vmem>>
        %dma_wait3A_209 = arith.constant 0 : i32
        %dma_wait3A_210 = tpu.memref_slice %arg4[%sub3A_204, %dma_wait3A_209, %mul3A_2] : memref<200x64x4096xf32, #tpu.memory_space<hbm>> -> memref<1x64x128xf32, #tpu.memory_space<hbm>>
        %dma_wait3A_211 = tpu.memref_squeeze %dma_wait3A_210 : memref<1x64x128xf32, #tpu.memory_space<hbm>> -> memref<64x128xf32, #tpu.memory_space<hbm>>
        %dma_wait3A_212 = tpu.memref_slice %arg10[%rem3A_149] : memref<2x!tpu.dma_semaphore, #tpu.memory_space<semaphore_mem>> -> memref<1x!tpu.dma_semaphore, #tpu.memory_space<semaphore_mem>>
        %dma_wait3A_213 = tpu.memref_squeeze %dma_wait3A_212 : memref<1x!tpu.dma_semaphore, #tpu.memory_space<semaphore_mem>> -> memref<!tpu.dma_semaphore, #tpu.memory_space<semaphore_mem>>
        %dma_wait3A_214 = arith.constant 0 : i32
        %dma_wait3A_215 = tpu.memref_slice %arg4[%sub3A_204, %dma_wait3A_214, %mul3A_2] : memref<200x64x4096xf32, #tpu.memory_space<hbm>> -> memref<1x64x128xf32, #tpu.memory_space<hbm>>
        %dma_wait3A_216 = tpu.memref_squeeze %dma_wait3A_215 : memref<1x64x128xf32, #tpu.memory_space<hbm>> -> memref<64x128xf32, #tpu.memory_space<hbm>>
        %dma_wait3A_217 = arith.constant 0 : i32
        %dma_wait3A_218 = arith.constant 0 : i32
        %dma_wait3A_219 = tpu.memref_slice %arg8[%rem3A_149, %dma_wait3A_217, %dma_wait3A_218] : memref<2x64x129xf32, #tpu.memory_space<vmem>> -> memref<1x64x128xf32, #tpu.memory_space<vmem>>
        %dma_wait3A_220 = tpu.memref_squeeze %dma_wait3A_219 : memref<1x64x128xf32, #tpu.memory_space<vmem>> -> memref<64x128xf32, #tpu.memory_space<vmem>>
        tpu.wait_dma2 semaphore(%dma_wait3A_213 : memref<!tpu.dma_semaphore, #tpu.memory_space<semaphore_mem>>) src(%dma_wait3A_220 : memref<64x128xf32, #tpu.memory_space<vmem>>) dst(%dma_wait3A_216 : memref<64x128xf32, #tpu.memory_space<hbm>>)
      } else {
      }
      %parallel_loop3A_155 = arith.constant 0 : i32
      %parallel_loop3A_156 = arith.constant 128 : i32
      %parallel_loop3A_157 = arith.constant 1 : i32
      scf.for %parallel_loop3A_204 = %parallel_loop3A_155 to %parallel_loop3A_156 step %parallel_loop3A_157  : i32 {
        %parallel_loop3A_205 = vector.broadcast %parallel_loop3A_204 : i32 to vector<16xi32>
        %parallel_loop3A_206 = arith.constant 256 : i32
        %parallel_loop3A_207 = arith.addi %parallel_loop3A_206, %parallel_loop3A_204 : i32
        %parallel_loop3A_208 = arith.index_cast %rem3A_64 : i32 to index
        %parallel_loop3A_209 = arith.index_cast %parallel_loop3A_207 : i32 to index
        %parallel_loop3A_210 = arith.constant 0 : index
        %parallel_loop3A_211 = tpu.vector_load %arg7[%parallel_loop3A_208, %parallel_loop3A_209, %parallel_loop3A_210] {strides = array<i32>} : memref<2x512x64xf32, #tpu.memory_space<vmem>>, vector<16xf32>,
        %parallel_loop3A_212 = arith.constant 8.000000e+00 : f32
        %parallel_loop3A_213 = vector.broadcast %parallel_loop3A_212 : f32 to vector<16xf32>
        %parallel_loop3A_214 = arith.mulf %parallel_loop3A_211, %parallel_loop3A_213 : vector<16xf32>
        %parallel_loop3A_215 = arith.constant 0 : i32
        %parallel_loop3A_216 = vector.broadcast %parallel_loop3A_215 : i32 to vector<16xi32>
        %parallel_loop3A_217 = arith.addi %iota3A, %parallel_loop3A_216 : vector<16xi32>
        %parallel_loop3A_218 = arith.constant 0 : i32
        %parallel_loop3A_219 = arith.constant 0 : i32
        %parallel_loop3A_220 = tpu.memref_slice %arg8[%rem3A_149, %parallel_loop3A_218, %parallel_loop3A_219] : memref<2x64x129xf32, #tpu.memory_space<vmem>> -> memref<1x64x129xf32, #tpu.memory_space<vmem>>
        %parallel_loop3A_221 = tpu.memref_squeeze %parallel_loop3A_220 : memref<1x64x129xf32, #tpu.memory_space<vmem>> -> memref<64x129xf32, #tpu.memory_space<vmem>>
        tpu.vector_store_idx %parallel_loop3A_221[%parallel_loop3A_217, %parallel_loop3A_205], %parallel_loop3A_214 : memref<64x129xf32, #tpu.memory_space<vmem>>[vector<16xi32>, vector<16xi32>], vector<16xf32>,
        %parallel_loop3A_222 = arith.constant 256 : i32
        %parallel_loop3A_223 = arith.addi %parallel_loop3A_222, %parallel_loop3A_204 : i32
        %parallel_loop3A_224 = arith.index_cast %rem3A_64 : i32 to index
        %parallel_loop3A_225 = arith.index_cast %parallel_loop3A_223 : i32 to index
        %parallel_loop3A_226 = arith.constant 16 : index
        %parallel_loop3A_227 = tpu.vector_load %arg7[%parallel_loop3A_224, %parallel_loop3A_225, %parallel_loop3A_226] {strides = array<i32>} : memref<2x512x64xf32, #tpu.memory_space<vmem>>, vector<16xf32>,
        %parallel_loop3A_228 = arith.constant 8.000000e+00 : f32
        %parallel_loop3A_229 = vector.broadcast %parallel_loop3A_228 : f32 to vector<16xf32>
        %parallel_loop3A_230 = arith.mulf %parallel_loop3A_227, %parallel_loop3A_229 : vector<16xf32>
        %parallel_loop3A_231 = arith.constant 16 : i32
        %parallel_loop3A_232 = vector.broadcast %parallel_loop3A_231 : i32 to vector<16xi32>
        %parallel_loop3A_233 = arith.addi %iota3A, %parallel_loop3A_232 : vector<16xi32>
        %parallel_loop3A_234 = arith.constant 0 : i32
        %parallel_loop3A_235 = arith.constant 0 : i32
        %parallel_loop3A_236 = tpu.memref_slice %arg8[%rem3A_149, %parallel_loop3A_234, %parallel_loop3A_235] : memref<2x64x129xf32, #tpu.memory_space<vmem>> -> memref<1x64x129xf32, #tpu.memory_space<vmem>>
        %parallel_loop3A_237 = tpu.memref_squeeze %parallel_loop3A_236 : memref<1x64x129xf32, #tpu.memory_space<vmem>> -> memref<64x129xf32, #tpu.memory_space<vmem>>
        tpu.vector_store_idx %parallel_loop3A_237[%parallel_loop3A_233, %parallel_loop3A_205], %parallel_loop3A_230 : memref<64x129xf32, #tpu.memory_space<vmem>>[vector<16xi32>, vector<16xi32>], vector<16xf32>,
        %parallel_loop3A_238 = arith.constant 256 : i32
        %parallel_loop3A_239 = arith.addi %parallel_loop3A_238, %parallel_loop3A_204 : i32
        %parallel_loop3A_240 = arith.index_cast %rem3A_64 : i32 to index
        %parallel_loop3A_241 = arith.index_cast %parallel_loop3A_239 : i32 to index
        %parallel_loop3A_242 = arith.constant 32 : index
        %parallel_loop3A_243 = tpu.vector_load %arg7[%parallel_loop3A_240, %parallel_loop3A_241, %parallel_loop3A_242] {strides = array<i32>} : memref<2x512x64xf32, #tpu.memory_space<vmem>>, vector<16xf32>,
        %parallel_loop3A_244 = arith.constant 8.000000e+00 : f32
        %parallel_loop3A_245 = vector.broadcast %parallel_loop3A_244 : f32 to vector<16xf32>
        %parallel_loop3A_246 = arith.mulf %parallel_loop3A_243, %parallel_loop3A_245 : vector<16xf32>
        %parallel_loop3A_247 = arith.constant 32 : i32
        %parallel_loop3A_248 = vector.broadcast %parallel_loop3A_247 : i32 to vector<16xi32>
        %parallel_loop3A_249 = arith.addi %iota3A, %parallel_loop3A_248 : vector<16xi32>
        %parallel_loop3A_250 = arith.constant 0 : i32
        %parallel_loop3A_251 = arith.constant 0 : i32
        %parallel_loop3A_252 = tpu.memref_slice %arg8[%rem3A_149, %parallel_loop3A_250, %parallel_loop3A_251] : memref<2x64x129xf32, #tpu.memory_space<vmem>> -> memref<1x64x129xf32, #tpu.memory_space<vmem>>
        %parallel_loop3A_253 = tpu.memref_squeeze %parallel_loop3A_252 : memref<1x64x129xf32, #tpu.memory_space<vmem>> -> memref<64x129xf32, #tpu.memory_space<vmem>>
        tpu.vector_store_idx %parallel_loop3A_253[%parallel_loop3A_249, %parallel_loop3A_205], %parallel_loop3A_246 : memref<64x129xf32, #tpu.memory_space<vmem>>[vector<16xi32>, vector<16xi32>], vector<16xf32>,
        %parallel_loop3A_254 = arith.constant 256 : i32
        %parallel_loop3A_255 = arith.addi %parallel_loop3A_254, %parallel_loop3A_204 : i32
        %parallel_loop3A_256 = arith.index_cast %rem3A_64 : i32 to index
        %parallel_loop3A_257 = arith.index_cast %parallel_loop3A_255 : i32 to index
        %parallel_loop3A_258 = arith.constant 48 : index
        %parallel_loop3A_259 = tpu.vector_load %arg7[%parallel_loop3A_256, %parallel_loop3A_257, %parallel_loop3A_258] {strides = array<i32>} : memref<2x512x64xf32, #tpu.memory_space<vmem>>, vector<16xf32>,
        %parallel_loop3A_260 = arith.constant 8.000000e+00 : f32
        %parallel_loop3A_261 = vector.broadcast %parallel_loop3A_260 : f32 to vector<16xf32>
        %parallel_loop3A_262 = arith.mulf %parallel_loop3A_259, %parallel_loop3A_261 : vector<16xf32>
        %parallel_loop3A_263 = arith.constant 48 : i32
        %parallel_loop3A_264 = vector.broadcast %parallel_loop3A_263 : i32 to vector<16xi32>
        %parallel_loop3A_265 = arith.addi %iota3A, %parallel_loop3A_264 : vector<16xi32>
        %parallel_loop3A_266 = arith.constant 0 : i32
        %parallel_loop3A_267 = arith.constant 0 : i32
        %parallel_loop3A_268 = tpu.memref_slice %arg8[%rem3A_149, %parallel_loop3A_266, %parallel_loop3A_267] : memref<2x64x129xf32, #tpu.memory_space<vmem>> -> memref<1x64x129xf32, #tpu.memory_space<vmem>>
        %parallel_loop3A_269 = tpu.memref_squeeze %parallel_loop3A_268 : memref<1x64x129xf32, #tpu.memory_space<vmem>> -> memref<64x129xf32, #tpu.memory_space<vmem>>
        tpu.vector_store_idx %parallel_loop3A_269[%parallel_loop3A_265, %parallel_loop3A_205], %parallel_loop3A_262 : memref<64x129xf32, #tpu.memory_space<vmem>>[vector<16xi32>, vector<16xi32>], vector<16xf32>,
      } {sc.loop_unroll_factor = 2 : i64, sc.parallel_access}
      %dma_start3A_158 = arith.constant 0 : i32
      %dma_start3A_159 = arith.constant 0 : i32
      %dma_start3A_160 = tpu.memref_slice %arg8[%rem3A_149, %dma_start3A_158, %dma_start3A_159] : memref<2x64x129xf32, #tpu.memory_space<vmem>> -> memref<1x64x128xf32, #tpu.memory_space<vmem>>
      %dma_start3A_161 = tpu.memref_squeeze %dma_start3A_160 : memref<1x64x128xf32, #tpu.memory_space<vmem>> -> memref<64x128xf32, #tpu.memory_space<vmem>>
      %dma_start3A_162 = arith.constant 0 : i32
      %dma_start3A_163 = tpu.memref_slice %arg4[%add3A_147, %dma_start3A_162, %mul3A_2] : memref<200x64x4096xf32, #tpu.memory_space<hbm>> -> memref<1x64x128xf32, #tpu.memory_space<hbm>>
      %dma_start3A_164 = tpu.memref_squeeze %dma_start3A_163 : memref<1x64x128xf32, #tpu.memory_space<hbm>> -> memref<64x128xf32, #tpu.memory_space<hbm>>
      %dma_start3A_165 = tpu.memref_slice %arg10[%rem3A_149] : memref<2x!tpu.dma_semaphore, #tpu.memory_space<semaphore_mem>> -> memref<1x!tpu.dma_semaphore, #tpu.memory_space<semaphore_mem>>
      %dma_start3A_166 = tpu.memref_squeeze %dma_start3A_165 : memref<1x!tpu.dma_semaphore, #tpu.memory_space<semaphore_mem>> -> memref<!tpu.dma_semaphore, #tpu.memory_space<semaphore_mem>>
      %dma_start3A_167 = arith.constant 0 : i32
      %dma_start3A_168 = tpu.memref_slice %arg4[%add3A_147, %dma_start3A_167, %mul3A_2] : memref<200x64x4096xf32, #tpu.memory_space<hbm>> -> memref<1x64x128xf32, #tpu.memory_space<hbm>>
      %dma_start3A_169 = tpu.memref_squeeze %dma_start3A_168 : memref<1x64x128xf32, #tpu.memory_space<hbm>> -> memref<64x128xf32, #tpu.memory_space<hbm>>
      %dma_start3A_170 = arith.constant 0 : i32
      %dma_start3A_171 = arith.constant 0 : i32
      %dma_start3A_172 = tpu.memref_slice %arg8[%rem3A_149, %dma_start3A_170, %dma_start3A_171] : memref<2x64x129xf32, #tpu.memory_space<vmem>> -> memref<1x64x128xf32, #tpu.memory_space<vmem>>
      %dma_start3A_173 = tpu.memref_squeeze %dma_start3A_172 : memref<1x64x128xf32, #tpu.memory_space<vmem>> -> memref<64x128xf32, #tpu.memory_space<vmem>>
      tpu.enqueue_dma source(%dma_start3A_173 : memref<64x128xf32, #tpu.memory_space<vmem>>) target(%dma_start3A_169 : memref<64x128xf32, #tpu.memory_space<hbm>>) target_semaphore(%dma_start3A_166 : memref<!tpu.dma_semaphore, #tpu.memory_space<semaphore_mem>>)
      %mul3A_174 = arith.constant 4 : i32
      %mul3A_175 = arith.muli %scan3A_62, %mul3A_174 : i32
      %add3A_176 = arith.constant 3 : i32
      %add3A_177 = arith.addi %mul3A_175, %add3A_176 : i32
      %rem3A_178 = arith.constant 2 : i32
      %rem3A_179 = arith.remsi %add3A_177, %rem3A_178 : i32
      %ge3A_180 = arith.constant 2 : i32
      %ge3A_181 = arith.cmpi sge, %add3A_177, %ge3A_180 : i32
      %convert_element_type3A_182 = arith.extui %ge3A_181 : i1 to i32
      %cond3A_183 = arith.constant 0 : i32
      %cond3A_184 = arith.cmpi ne, %convert_element_type3A_182, %cond3A_183 : i32
      scf.if %cond3A_184 {
        %sub3A = arith.constant 2 : i32
        %sub3A_204 = arith.subi %add3A_177, %sub3A : i32
        %dma_wait3A_205 = arith.constant 0 : i32
        %dma_wait3A_206 = arith.constant 0 : i32
        %dma_wait3A_207 = tpu.memref_slice %arg8[%rem3A_179, %dma_wait3A_205, %dma_wait3A_206] : memref<2x64x129xf32, #tpu.memory_space<vmem>> -> memref<1x64x128xf32, #tpu.memory_space<vmem>>
        %dma_wait3A_208 = tpu.memref_squeeze %dma_wait3A_207 : memref<1x64x128xf32, #tpu.memory_space<vmem>> -> memref<64x128xf32, #tpu.memory_space<vmem>>
        %dma_wait3A_209 = arith.constant 0 : i32
        %dma_wait3A_210 = tpu.memref_slice %arg4[%sub3A_204, %dma_wait3A_209, %mul3A_2] : memref<200x64x4096xf32, #tpu.memory_space<hbm>> -> memref<1x64x128xf32, #tpu.memory_space<hbm>>
        %dma_wait3A_211 = tpu.memref_squeeze %dma_wait3A_210 : memref<1x64x128xf32, #tpu.memory_space<hbm>> -> memref<64x128xf32, #tpu.memory_space<hbm>>
        %dma_wait3A_212 = tpu.memref_slice %arg10[%rem3A_179] : memref<2x!tpu.dma_semaphore, #tpu.memory_space<semaphore_mem>> -> memref<1x!tpu.dma_semaphore, #tpu.memory_space<semaphore_mem>>
        %dma_wait3A_213 = tpu.memref_squeeze %dma_wait3A_212 : memref<1x!tpu.dma_semaphore, #tpu.memory_space<semaphore_mem>> -> memref<!tpu.dma_semaphore, #tpu.memory_space<semaphore_mem>>
        %dma_wait3A_214 = arith.constant 0 : i32
        %dma_wait3A_215 = tpu.memref_slice %arg4[%sub3A_204, %dma_wait3A_214, %mul3A_2] : memref<200x64x4096xf32, #tpu.memory_space<hbm>> -> memref<1x64x128xf32, #tpu.memory_space<hbm>>
        %dma_wait3A_216 = tpu.memref_squeeze %dma_wait3A_215 : memref<1x64x128xf32, #tpu.memory_space<hbm>> -> memref<64x128xf32, #tpu.memory_space<hbm>>
        %dma_wait3A_217 = arith.constant 0 : i32
        %dma_wait3A_218 = arith.constant 0 : i32
        %dma_wait3A_219 = tpu.memref_slice %arg8[%rem3A_179, %dma_wait3A_217, %dma_wait3A_218] : memref<2x64x129xf32, #tpu.memory_space<vmem>> -> memref<1x64x128xf32, #tpu.memory_space<vmem>>
        %dma_wait3A_220 = tpu.memref_squeeze %dma_wait3A_219 : memref<1x64x128xf32, #tpu.memory_space<vmem>> -> memref<64x128xf32, #tpu.memory_space<vmem>>
        tpu.wait_dma2 semaphore(%dma_wait3A_213 : memref<!tpu.dma_semaphore, #tpu.memory_space<semaphore_mem>>) src(%dma_wait3A_220 : memref<64x128xf32, #tpu.memory_space<vmem>>) dst(%dma_wait3A_216 : memref<64x128xf32, #tpu.memory_space<hbm>>)
      } else {
      }
      %parallel_loop3A_185 = arith.constant 0 : i32
      %parallel_loop3A_186 = arith.constant 128 : i32
      %parallel_loop3A_187 = arith.constant 1 : i32
      scf.for %parallel_loop3A_204 = %parallel_loop3A_185 to %parallel_loop3A_186 step %parallel_loop3A_187  : i32 {
        %parallel_loop3A_205 = vector.broadcast %parallel_loop3A_204 : i32 to vector<16xi32>
        %parallel_loop3A_206 = arith.constant 384 : i32
        %parallel_loop3A_207 = arith.addi %parallel_loop3A_206, %parallel_loop3A_204 : i32
        %parallel_loop3A_208 = arith.index_cast %rem3A_64 : i32 to index
        %parallel_loop3A_209 = arith.index_cast %parallel_loop3A_207 : i32 to index
        %parallel_loop3A_210 = arith.constant 0 : index
        %parallel_loop3A_211 = tpu.vector_load %arg7[%parallel_loop3A_208, %parallel_loop3A_209, %parallel_loop3A_210] {strides = array<i32>} : memref<2x512x64xf32, #tpu.memory_space<vmem>>, vector<16xf32>,
        %parallel_loop3A_212 = arith.constant 8.000000e+00 : f32
        %parallel_loop3A_213 = vector.broadcast %parallel_loop3A_212 : f32 to vector<16xf32>
        %parallel_loop3A_214 = arith.mulf %parallel_loop3A_211, %parallel_loop3A_213 : vector<16xf32>
        %parallel_loop3A_215 = arith.constant 0 : i32
        %parallel_loop3A_216 = vector.broadcast %parallel_loop3A_215 : i32 to vector<16xi32>
        %parallel_loop3A_217 = arith.addi %iota3A, %parallel_loop3A_216 : vector<16xi32>
        %parallel_loop3A_218 = arith.constant 0 : i32
        %parallel_loop3A_219 = arith.constant 0 : i32
        %parallel_loop3A_220 = tpu.memref_slice %arg8[%rem3A_179, %parallel_loop3A_218, %parallel_loop3A_219] : memref<2x64x129xf32, #tpu.memory_space<vmem>> -> memref<1x64x129xf32, #tpu.memory_space<vmem>>
        %parallel_loop3A_221 = tpu.memref_squeeze %parallel_loop3A_220 : memref<1x64x129xf32, #tpu.memory_space<vmem>> -> memref<64x129xf32, #tpu.memory_space<vmem>>
        tpu.vector_store_idx %parallel_loop3A_221[%parallel_loop3A_217, %parallel_loop3A_205], %parallel_loop3A_214 : memref<64x129xf32, #tpu.memory_space<vmem>>[vector<16xi32>, vector<16xi32>], vector<16xf32>,
        %parallel_loop3A_222 = arith.constant 384 : i32
        %parallel_loop3A_223 = arith.addi %parallel_loop3A_222, %parallel_loop3A_204 : i32
        %parallel_loop3A_224 = arith.index_cast %rem3A_64 : i32 to index
        %parallel_loop3A_225 = arith.index_cast %parallel_loop3A_223 : i32 to index
        %parallel_loop3A_226 = arith.constant 16 : index
        %parallel_loop3A_227 = tpu.vector_load %arg7[%parallel_loop3A_224, %parallel_loop3A_225, %parallel_loop3A_226] {strides = array<i32>} : memref<2x512x64xf32, #tpu.memory_space<vmem>>, vector<16xf32>,
        %parallel_loop3A_228 = arith.constant 8.000000e+00 : f32
        %parallel_loop3A_229 = vector.broadcast %parallel_loop3A_228 : f32 to vector<16xf32>
        %parallel_loop3A_230 = arith.mulf %parallel_loop3A_227, %parallel_loop3A_229 : vector<16xf32>
        %parallel_loop3A_231 = arith.constant 16 : i32
        %parallel_loop3A_232 = vector.broadcast %parallel_loop3A_231 : i32 to vector<16xi32>
        %parallel_loop3A_233 = arith.addi %iota3A, %parallel_loop3A_232 : vector<16xi32>
        %parallel_loop3A_234 = arith.constant 0 : i32
        %parallel_loop3A_235 = arith.constant 0 : i32
        %parallel_loop3A_236 = tpu.memref_slice %arg8[%rem3A_179, %parallel_loop3A_234, %parallel_loop3A_235] : memref<2x64x129xf32, #tpu.memory_space<vmem>> -> memref<1x64x129xf32, #tpu.memory_space<vmem>>
        %parallel_loop3A_237 = tpu.memref_squeeze %parallel_loop3A_236 : memref<1x64x129xf32, #tpu.memory_space<vmem>> -> memref<64x129xf32, #tpu.memory_space<vmem>>
        tpu.vector_store_idx %parallel_loop3A_237[%parallel_loop3A_233, %parallel_loop3A_205], %parallel_loop3A_230 : memref<64x129xf32, #tpu.memory_space<vmem>>[vector<16xi32>, vector<16xi32>], vector<16xf32>,
        %parallel_loop3A_238 = arith.constant 384 : i32
        %parallel_loop3A_239 = arith.addi %parallel_loop3A_238, %parallel_loop3A_204 : i32
        %parallel_loop3A_240 = arith.index_cast %rem3A_64 : i32 to index
        %parallel_loop3A_241 = arith.index_cast %parallel_loop3A_239 : i32 to index
        %parallel_loop3A_242 = arith.constant 32 : index
        %parallel_loop3A_243 = tpu.vector_load %arg7[%parallel_loop3A_240, %parallel_loop3A_241, %parallel_loop3A_242] {strides = array<i32>} : memref<2x512x64xf32, #tpu.memory_space<vmem>>, vector<16xf32>,
        %parallel_loop3A_244 = arith.constant 8.000000e+00 : f32
        %parallel_loop3A_245 = vector.broadcast %parallel_loop3A_244 : f32 to vector<16xf32>
        %parallel_loop3A_246 = arith.mulf %parallel_loop3A_243, %parallel_loop3A_245 : vector<16xf32>
        %parallel_loop3A_247 = arith.constant 32 : i32
        %parallel_loop3A_248 = vector.broadcast %parallel_loop3A_247 : i32 to vector<16xi32>
        %parallel_loop3A_249 = arith.addi %iota3A, %parallel_loop3A_248 : vector<16xi32>
        %parallel_loop3A_250 = arith.constant 0 : i32
        %parallel_loop3A_251 = arith.constant 0 : i32
        %parallel_loop3A_252 = tpu.memref_slice %arg8[%rem3A_179, %parallel_loop3A_250, %parallel_loop3A_251] : memref<2x64x129xf32, #tpu.memory_space<vmem>> -> memref<1x64x129xf32, #tpu.memory_space<vmem>>
        %parallel_loop3A_253 = tpu.memref_squeeze %parallel_loop3A_252 : memref<1x64x129xf32, #tpu.memory_space<vmem>> -> memref<64x129xf32, #tpu.memory_space<vmem>>
        tpu.vector_store_idx %parallel_loop3A_253[%parallel_loop3A_249, %parallel_loop3A_205], %parallel_loop3A_246 : memref<64x129xf32, #tpu.memory_space<vmem>>[vector<16xi32>, vector<16xi32>], vector<16xf32>,
        %parallel_loop3A_254 = arith.constant 384 : i32
        %parallel_loop3A_255 = arith.addi %parallel_loop3A_254, %parallel_loop3A_204 : i32
        %parallel_loop3A_256 = arith.index_cast %rem3A_64 : i32 to index
        %parallel_loop3A_257 = arith.index_cast %parallel_loop3A_255 : i32 to index
        %parallel_loop3A_258 = arith.constant 48 : index
        %parallel_loop3A_259 = tpu.vector_load %arg7[%parallel_loop3A_256, %parallel_loop3A_257, %parallel_loop3A_258] {strides = array<i32>} : memref<2x512x64xf32, #tpu.memory_space<vmem>>, vector<16xf32>,
        %parallel_loop3A_260 = arith.constant 8.000000e+00 : f32
        %parallel_loop3A_261 = vector.broadcast %parallel_loop3A_260 : f32 to vector<16xf32>
        %parallel_loop3A_262 = arith.mulf %parallel_loop3A_259, %parallel_loop3A_261 : vector<16xf32>
        %parallel_loop3A_263 = arith.constant 48 : i32
        %parallel_loop3A_264 = vector.broadcast %parallel_loop3A_263 : i32 to vector<16xi32>
        %parallel_loop3A_265 = arith.addi %iota3A, %parallel_loop3A_264 : vector<16xi32>
        %parallel_loop3A_266 = arith.constant 0 : i32
        %parallel_loop3A_267 = arith.constant 0 : i32
        %parallel_loop3A_268 = tpu.memref_slice %arg8[%rem3A_179, %parallel_loop3A_266, %parallel_loop3A_267] : memref<2x64x129xf32, #tpu.memory_space<vmem>> -> memref<1x64x129xf32, #tpu.memory_space<vmem>>
        %parallel_loop3A_269 = tpu.memref_squeeze %parallel_loop3A_268 : memref<1x64x129xf32, #tpu.memory_space<vmem>> -> memref<64x129xf32, #tpu.memory_space<vmem>>
        tpu.vector_store_idx %parallel_loop3A_269[%parallel_loop3A_265, %parallel_loop3A_205], %parallel_loop3A_262 : memref<64x129xf32, #tpu.memory_space<vmem>>[vector<16xi32>, vector<16xi32>], vector<16xf32>,
      } {sc.loop_unroll_factor = 2 : i64, sc.parallel_access}
      %dma_start3A_188 = arith.constant 0 : i32
      %dma_start3A_189 = arith.constant 0 : i32
      %dma_start3A_190 = tpu.memref_slice %arg8[%rem3A_179, %dma_start3A_188, %dma_start3A_189] : memref<2x64x129xf32, #tpu.memory_space<vmem>> -> memref<1x64x128xf32, #tpu.memory_space<vmem>>
      %dma_start3A_191 = tpu.memref_squeeze %dma_start3A_190 : memref<1x64x128xf32, #tpu.memory_space<vmem>> -> memref<64x128xf32, #tpu.memory_space<vmem>>
      %dma_start3A_192 = arith.constant 0 : i32
      %dma_start3A_193 = tpu.memref_slice %arg4[%add3A_177, %dma_start3A_192, %mul3A_2] : memref<200x64x4096xf32, #tpu.memory_space<hbm>> -> memref<1x64x128xf32, #tpu.memory_space<hbm>>
      %dma_start3A_194 = tpu.memref_squeeze %dma_start3A_193 : memref<1x64x128xf32, #tpu.memory_space<hbm>> -> memref<64x128xf32, #tpu.memory_space<hbm>>
      %dma_start3A_195 = tpu.memref_slice %arg10[%rem3A_179] : memref<2x!tpu.dma_semaphore, #tpu.memory_space<semaphore_mem>> -> memref<1x!tpu.dma_semaphore, #tpu.memory_space<semaphore_mem>>
      %dma_start3A_196 = tpu.memref_squeeze %dma_start3A_195 : memref<1x!tpu.dma_semaphore, #tpu.memory_space<semaphore_mem>> -> memref<!tpu.dma_semaphore, #tpu.memory_space<semaphore_mem>>
      %dma_start3A_197 = arith.constant 0 : i32
      %dma_start3A_198 = tpu.memref_slice %arg4[%add3A_177, %dma_start3A_197, %mul3A_2] : memref<200x64x4096xf32, #tpu.memory_space<hbm>> -> memref<1x64x128xf32, #tpu.memory_space<hbm>>
      %dma_start3A_199 = tpu.memref_squeeze %dma_start3A_198 : memref<1x64x128xf32, #tpu.memory_space<hbm>> -> memref<64x128xf32, #tpu.memory_space<hbm>>
      %dma_start3A_200 = arith.constant 0 : i32
      %dma_start3A_201 = arith.constant 0 : i32
      %dma_start3A_202 = tpu.memref_slice %arg8[%rem3A_179, %dma_start3A_200, %dma_start3A_201] : memref<2x64x129xf32, #tpu.memory_space<vmem>> -> memref<1x64x128xf32, #tpu.memory_space<vmem>>
      %dma_start3A_203 = tpu.memref_squeeze %dma_start3A_202 : memref<1x64x128xf32, #tpu.memory_space<vmem>> -> memref<64x128xf32, #tpu.memory_space<vmem>>
      tpu.enqueue_dma source(%dma_start3A_203 : memref<64x128xf32, #tpu.memory_space<vmem>>) target(%dma_start3A_199 : memref<64x128xf32, #tpu.memory_space<hbm>>) target_semaphore(%dma_start3A_196 : memref<!tpu.dma_semaphore, #tpu.memory_space<semaphore_mem>>)
    }
    %scan3A_23 = arith.constant 50 : i32
    %rem3A = arith.constant 198 : i32
    %rem3A_24 = arith.constant 2 : i32
    %rem3A_25 = arith.remsi %rem3A, %rem3A_24 : i32
    %dma_wait3A = arith.constant 198 : i32
    %dma_wait3A_26 = arith.constant 0 : i32
    %dma_wait3A_27 = arith.constant 0 : i32
    %dma_wait3A_28 = tpu.memref_slice %arg8[%rem3A_25, %dma_wait3A_26, %dma_wait3A_27] : memref<2x64x129xf32, #tpu.memory_space<vmem>> -> memref<1x64x128xf32, #tpu.memory_space<vmem>>
    %dma_wait3A_29 = tpu.memref_squeeze %dma_wait3A_28 : memref<1x64x128xf32, #tpu.memory_space<vmem>> -> memref<64x128xf32, #tpu.memory_space<vmem>>
    %dma_wait3A_30 = arith.constant 0 : i32
    %dma_wait3A_31 = tpu.memref_slice %arg4[%dma_wait3A, %dma_wait3A_30, %mul3A_2] : memref<200x64x4096xf32, #tpu.memory_space<hbm>> -> memref<1x64x128xf32, #tpu.memory_space<hbm>>
    %dma_wait3A_32 = tpu.memref_squeeze %dma_wait3A_31 : memref<1x64x128xf32, #tpu.memory_space<hbm>> -> memref<64x128xf32, #tpu.memory_space<hbm>>
    %dma_wait3A_33 = tpu.memref_slice %arg10[%rem3A_25] : memref<2x!tpu.dma_semaphore, #tpu.memory_space<semaphore_mem>> -> memref<1x!tpu.dma_semaphore, #tpu.memory_space<semaphore_mem>>
    %dma_wait3A_34 = tpu.memref_squeeze %dma_wait3A_33 : memref<1x!tpu.dma_semaphore, #tpu.memory_space<semaphore_mem>> -> memref<!tpu.dma_semaphore, #tpu.memory_space<semaphore_mem>>
    %dma_wait3A_35 = arith.constant 0 : i32
    %dma_wait3A_36 = tpu.memref_slice %arg4[%dma_wait3A, %dma_wait3A_35, %mul3A_2] : memref<200x64x4096xf32, #tpu.memory_space<hbm>> -> memref<1x64x128xf32, #tpu.memory_space<hbm>>
    %dma_wait3A_37 = tpu.memref_squeeze %dma_wait3A_36 : memref<1x64x128xf32, #tpu.memory_space<hbm>> -> memref<64x128xf32, #tpu.memory_space<hbm>>
    %dma_wait3A_38 = arith.constant 0 : i32
    %dma_wait3A_39 = arith.constant 0 : i32
    %dma_wait3A_40 = tpu.memref_slice %arg8[%rem3A_25, %dma_wait3A_38, %dma_wait3A_39] : memref<2x64x129xf32, #tpu.memory_space<vmem>> -> memref<1x64x128xf32, #tpu.memory_space<vmem>>
    %dma_wait3A_41 = tpu.memref_squeeze %dma_wait3A_40 : memref<1x64x128xf32, #tpu.memory_space<vmem>> -> memref<64x128xf32, #tpu.memory_space<vmem>>
    tpu.wait_dma2 semaphore(%dma_wait3A_34 : memref<!tpu.dma_semaphore, #tpu.memory_space<semaphore_mem>>) src(%dma_wait3A_41 : memref<64x128xf32, #tpu.memory_space<vmem>>) dst(%dma_wait3A_37 : memref<64x128xf32, #tpu.memory_space<hbm>>)
    %rem3A_42 = arith.constant 199 : i32
    %rem3A_43 = arith.constant 2 : i32
    %rem3A_44 = arith.remsi %rem3A_42, %rem3A_43 : i32
    %dma_wait3A_45 = arith.constant 199 : i32
    %dma_wait3A_46 = arith.constant 0 : i32
    %dma_wait3A_47 = arith.constant 0 : i32
    %dma_wait3A_48 = tpu.memref_slice %arg8[%rem3A_44, %dma_wait3A_46, %dma_wait3A_47] : memref<2x64x129xf32, #tpu.memory_space<vmem>> -> memref<1x64x128xf32, #tpu.memory_space<vmem>>
    %dma_wait3A_49 = tpu.memref_squeeze %dma_wait3A_48 : memref<1x64x128xf32, #tpu.memory_space<vmem>> -> memref<64x128xf32, #tpu.memory_space<vmem>>
    %dma_wait3A_50 = arith.constant 0 : i32
    %dma_wait3A_51 = tpu.memref_slice %arg4[%dma_wait3A_45, %dma_wait3A_50, %mul3A_2] : memref<200x64x4096xf32, #tpu.memory_space<hbm>> -> memref<1x64x128xf32, #tpu.memory_space<hbm>>
    %dma_wait3A_52 = tpu.memref_squeeze %dma_wait3A_51 : memref<1x64x128xf32, #tpu.memory_space<hbm>> -> memref<64x128xf32, #tpu.memory_space<hbm>>
    %dma_wait3A_53 = tpu.memref_slice %arg10[%rem3A_44] : memref<2x!tpu.dma_semaphore, #tpu.memory_space<semaphore_mem>> -> memref<1x!tpu.dma_semaphore, #tpu.memory_space<semaphore_mem>>
    %dma_wait3A_54 = tpu.memref_squeeze %dma_wait3A_53 : memref<1x!tpu.dma_semaphore, #tpu.memory_space<semaphore_mem>> -> memref<!tpu.dma_semaphore, #tpu.memory_space<semaphore_mem>>
    %dma_wait3A_55 = arith.constant 0 : i32
    %dma_wait3A_56 = tpu.memref_slice %arg4[%dma_wait3A_45, %dma_wait3A_55, %mul3A_2] : memref<200x64x4096xf32, #tpu.memory_space<hbm>> -> memref<1x64x128xf32, #tpu.memory_space<hbm>>
    %dma_wait3A_57 = tpu.memref_squeeze %dma_wait3A_56 : memref<1x64x128xf32, #tpu.memory_space<hbm>> -> memref<64x128xf32, #tpu.memory_space<hbm>>
    %dma_wait3A_58 = arith.constant 0 : i32
    %dma_wait3A_59 = arith.constant 0 : i32
    %dma_wait3A_60 = tpu.memref_slice %arg8[%rem3A_44, %dma_wait3A_58, %dma_wait3A_59] : memref<2x64x129xf32, #tpu.memory_space<vmem>> -> memref<1x64x128xf32, #tpu.memory_space<vmem>>
    %dma_wait3A_61 = tpu.memref_squeeze %dma_wait3A_60 : memref<1x64x128xf32, #tpu.memory_space<vmem>> -> memref<64x128xf32, #tpu.memory_space<vmem>>
    tpu.wait_dma2 semaphore(%dma_wait3A_54 : memref<!tpu.dma_semaphore, #tpu.memory_space<semaphore_mem>>) src(%dma_wait3A_61 : memref<64x128xf32, #tpu.memory_space<vmem>>) dst(%dma_wait3A_57 : memref<64x128xf32, #tpu.memory_space<hbm>>)
    return
  }
}

</mosaic_0001>

<sc_bundles>
// kernel: kernel.3.cloned.1.call-start
scs
__scs_entry_jumppad:
0x0: {  	(pc) =	sbr.rel $0x88, $3  }
0x1: {  	(tag) =	ssettag $0x0;
	lr =	simm.s32 $0x1  }
0x2: {  	[smem:$0x3F9F] =	sst lr;
	_ =	strace $0xD0000000  }
0x3: {  	_ = 	snop  }
0x4: {  	_ = 	snop  }
0x5: {  	_ = 	snop  }
0x6: {  	_ = 	snop  }
0x7: {  	_ = 	snop  }
__scs_overlays_trampoline_lowered:
0x8: {  	[smem:$0x3FAE] =	sst s0  }
0x9: {  	[smem:$0x3FAF] =	sst s1  }
0xa: {  	[smem:$0x3FB0] =	sst s2  }
0xb: {  	[smem:$0x3FB1] =	sst s3  }
0xc: {  	[smem:$0x3FB2] =	sst s4  }
0xd: {  	[smem:$0x3FB3] =	sst s5  }
0xe: {  	[smem:$0x3FB4] =	sst s6  }
0xf: {  	[smem:$0x3FB5] =	sst s7  }
0x10: {  	[smem:$0x3FB6] =	sst s8  }
0x11: {  	[smem:$0x3FB7] =	sst s9;
	s0 =	simm.s32 @!p0 $0x0  }
0x12: {  	s1 =	sld [smem:$0x3F9D];
	s0 =	simm.s32 @p0 $0x1  }
0x13: {  	[smem:$0x3FB8] =	sst s0;
	s0 =	simm.s32 @!p1 $0x0  }
0x14: {  	s2 =	sld [smem:$0x3F9C];
	s0 =	simm.s32 @p1 $0x1  }
0x15: {  	[smem:$0x3FB9] =	sst s0;
	s0 =	simm.s32 @!p2 $0x0  }
0x16: {  	s3 =	sld [smem:$0x3FDB];
	s0 =	simm.s32 @p2 $0x1  }
0x17: {  	s4 =	simm.s32 $0x1BF5;
	[smem:$0x3FBB] =	sst s0  }
0x18: {  	s0 =	sld [smem:$0x3F9E];
	_ =	swait.ge [sflag:s4], $0x0  }
0x19: {  	s7 =	sld [smem:$0x3F9F]  }
0x1a: {  	s8 =	sadd.s32 $0xFFFFE003, lr  }
0x1b: {  	s9 =	sadd.s32 $0xFFFFFEF7, lr;
	s5 =	simm.s32 $0xFFFFFFFF;
	p2 =	slt.u32 s8, $0xFFFFF086  }
0x1c: {  	p1 =	slt.u32 s9, $0xF7A;
	s5 =	simm.s32 @!p2 $0x0  }
0x1d: {  	s5 =	simm.s32 @p1 $0x1;
	p0 =	seq.s32 s7, s2  }
0x1e: {  	s7 =	smul.u32 @!p0 $0xF7A, s2;
	p2 =	seq.s32 @!p0 s5, $0x0  }
0x1f: {  	s9 =	smul.u32 $0xF7A, s1;
	s8 =	simm.s32 @!p0 $0x1BF5;
	p2 =	por !p2, p0  }
0x20: {  	[sflag:s8] =	ssyncset.s32 @!p0 $0xFFFFF086;
	s6 =	sadd.s32 @!p0 s3, s7;
	s7 =	simm.s32 @!p0 $0x108  }
0x21: {  	s3 =	sadd.s32 s3, s9;
	s6 =	sadd.s32 @!p0 $0x88, s6;
	s7 =	simm.s32 @p2 $0x1082  }
0x22: {  	[simem:s7], [sflag:s8] =	dma.local @!p0 [hbm:s6], $0xF7A  }
0x23: {  	s9 =	sor.u32 $0xD0000000, s2;
	s6 =	simm.s32 $0x108;
	_ =	swait.ge @!p0 [sflag:s8], $0x0  }
0x24: {  	s3 =	sadd.s32 $0x88, s3;
	s6 =	simm.s32 @!p1 $0x1082;
	[sflag:s4] =	ssyncset.s32 $0xFFFFF086  }
0x25: {  	[simem:s6], [sflag:s4] =	dma.local [hbm:s3], $0xF7A  }
0x26: {  	[smem:$0x3F9F] =	sst s1;
	(tag) =	ssettag s2;
	_ =	strace s9  }
0x27: {  	s1 =	sld [smem:$0x3FAF]  }
0x28: {  	s2 =	sld [smem:$0x3FB0]  }
0x29: {  	s4 =	sld [smem:$0x3FB2]  }
0x2a: {  	p0 =	seq.s32 s5, $0x0;
	s5 =	sld [smem:$0x3FB3]  }
0x2b: {  	s6 =	sld [smem:$0x3FB4]  }
0x2c: {  	s7 =	sld [smem:$0x3FB5]  }
0x2d: {  	s3 =	simm.s32 $0x108;
	s8 =	sld [smem:$0x3FB6]  }
0x2e: {  	s3 =	simm.s32 @!p0 $0x1082;
	s9 =	sld [smem:$0x3FB7]  }
0x2f: {  	lr =	sadd.s32 s0, s3;
	s0 =	sld [smem:$0x3FAE]  }
0x30: {  	s3 =	sld [smem:$0x3FB1]  }
0x31: {  	[smem:$0x3FBA] =	sst s10  }
0x32: {  	s10 =	sld [smem:$0x3FB8];
	_ =	sdelay $0x3  }
0x33: {  	p0 =	seq.s32 s10, $0x1;
	s10 =	sld [smem:$0x3FBA];
	_ =	sdelay $0x3  }
0x34: {  	[smem:$0x3FBA] =	sst s10  }
0x35: {  	s10 =	sld [smem:$0x3FB9];
	_ =	sdelay $0x3  }
0x36: {  	p1 =	seq.s32 s10, $0x1;
	s10 =	sld [smem:$0x3FBA];
	_ =	sdelay $0x3  }
0x37: {  	[smem:$0x3FBA] =	sst s10  }
0x38: {  	s10 =	sld [smem:$0x3FBB]  }
0x39: {  	_ = 	snop;
	(pc) =	sbr.ind lr, $3  }
0x3a: {  	_ = 	snop  }
0x3b: {  	_ = 	snop  }
0x3c: {  	p2 =	seq.s32 s10, $0x1;
	s10 =	sld [smem:$0x3FBA]  }
0x3d: {  	_ =	shalt  }
0x3e: {  	_ =	shalt  }
0x3f: {  	_ =	shalt  }
0x40: {  	_ =	shalt  }
0x41: {  	_ =	shalt  }
0x42: {  	_ =	shalt  }
0x43: {  	_ =	shalt  }
0x44: {  	_ =	shalt  }
0x45: {  	_ =	shalt  }
0x46: {  	_ =	shalt  }
0x47: {  	_ =	shalt  }
0x48: {  	_ =	shalt  }
0x49: {  	_ =	shalt  }
0x4a: {  	_ =	shalt  }
0x4b: {  	_ =	shalt  }
0x4c: {  	_ =	shalt  }
0x4d: {  	_ =	shalt  }
0x4e: {  	_ =	shalt  }
0x4f: {  	_ =	shalt  }
0x50: {  	_ =	shalt  }
0x51: {  	_ =	shalt  }
0x52: {  	_ =	shalt  }
0x53: {  	_ =	shalt  }
0x54: {  	_ =	shalt  }
0x55: {  	_ =	shalt  }
0x56: {  	_ =	shalt  }
0x57: {  	_ =	shalt  }
0x58: {  	_ =	shalt  }
0x59: {  	_ =	shalt  }
0x5a: {  	_ =	shalt  }
0x5b: {  	_ =	shalt  }
0x5c: {  	_ =	shalt  }
0x5d: {  	_ =	shalt  }
0x5e: {  	_ =	shalt  }
0x5f: {  	_ =	shalt  }
0x60: {  	_ =	shalt  }
0x61: {  	_ =	shalt  }
0x62: {  	_ =	shalt  }
0x63: {  	_ =	shalt  }
0x64: {  	_ =	shalt  }
0x65: {  	_ =	shalt  }
0x66: {  	_ =	shalt  }
0x67: {  	_ =	shalt  }
0x68: {  	_ =	shalt  }
0x69: {  	_ =	shalt  }
0x6a: {  	_ =	shalt  }
0x6b: {  	_ =	shalt  }
0x6c: {  	_ =	shalt  }
0x6d: {  	_ =	shalt  }
0x6e: {  	_ =	shalt  }
0x6f: {  	_ =	shalt  }
0x70: {  	_ =	shalt  }
0x71: {  	_ =	shalt  }
0x72: {  	_ =	shalt  }
0x73: {  	_ =	shalt  }
0x74: {  	_ =	shalt  }
0x75: {  	_ =	shalt  }
0x76: {  	_ =	shalt  }
0x77: {  	_ =	shalt  }
0x78: {  	_ =	shalt  }
0x79: {  	_ =	shalt  }
0x7a: {  	_ =	shalt  }
0x7b: {  	_ =	shalt  }
0x7c: {  	_ =	shalt  }
0x7d: {  	_ =	shalt  }
0x7e: {  	_ =	shalt  }
0x7f: {  	_ =	shalt  }
0x80: {  	_ =	shalt  }
0x81: {  	_ =	shalt  }
0x82: {  	_ =	shalt  }
0x83: {  	_ =	shalt  }
0x84: {  	_ =	shalt  }
0x85: {  	_ =	shalt  }
0x86: {  	_ =	shalt  }
0x87: {  	_ =	shalt  }
.Lfunc_end0:
.L_simem_size_0:
called_computation_lowered:
.L_overlay_start_0:
0x88: {  	s2 =	sld [smem:$0x3FD9]  }
0x89: {  	s3 =	sld [smem:$0x3FFE];
	_ =	sdelay $0x1  }
0x8a: {  	s1 =	srdreg.scid  }
0x8b: {  	s0 =	sand.u32 $0x1, s1  }
0x8c: {  	s17 =	sshll.u32 s0, $0xA;
	s2 =	sadd.s32 s3, s2  }
0x8d: {  	s2 =	sadd.s32 s2, s17  }
0x8e: {  	[smem:$0x3FC6] =	sst s2  }
0x8f: {  	_ = 	snop  }
0x90: {  	s2 =	sld [smem:$0x3FD0];
	(tm) =	ssettm $0x1  }
0x91: {  	s18 =	sld [smem:$0x3FFB];
	_ =	sdelay $0x3  }
0x92: {  	_ =	strace s18  }
0x93: {  	s3 =	sld [smem:$0x3FFC];
	_ =	sdelay $0x3  }
0x94: {  	_ =	strace s3  }
0x95: {  	s3 =	sld [smem:$0x3FFD];
	_ =	sdelay $0x3  }
0x96: {  	_ =	strace s3  }
0x97: {  	_ =	strace $0x8FFFFFFF  }
0x98: {  	s19 =	sld [smem:$0x3FDB];
	_ =	sdelay $0x1  }
0x99: {  	s4 =	simm.s32 $_scs_section_size  }
0x9a: {  	s5 =	simm.s32 $_size__tile_overlayer_lowered;
	s6 =	simm.s32 $_tile_overlayer_lowered  }
0x9b: {  	s22 =	simm.s32 $0x1BFF;
	s21 =	sshll.u32 s6, $0x1;
	s3 =	sadd.s32 s4, s19  }
0x9c: {  	s7 =	simm.s32 $0x0;
	s20 =	sshll.u32 s5, $0x1;
	s5 =	sadd.s32 s21, s3  }
0x9d: {  	[timem:s7], [sflag:s22] =	dma.local [hbm:s5], s20  }
0x9e: {  	_ =	swait.ge [sflag:s22], s20  }
0x9f: {  	s4 =	ssub.s32 $0x0, s20;
	[sflag:s22] =	ssyncset.done $0x0  }
0xa0: {  	[sflag:s22] =	ssyncadd.s32 s4;
	_ =	sdelay $0x1  }
0xa1: {  	s23 =	simm.s32 $0x1B8B  }
0xa2: {  	_ =	swait.ge [sflag:s23], $0x1  }
0xa3: {  	[sflag:s23] =	ssyncset.done $0x0  }
0xa4: {  	s25 =	simm.s32 $0x1B8E;
	s24 =	sld [smem:$0x3FFE];
	[sflag:s23] =	ssyncadd.s32 $0xFFFFFFFF  }
0xa5: {  	s26 =	simm.s32 $execute0_lowered;
	[smem:$0x3FD2] =	sst s25  }
0xa6: {  	s5 =	sshll.u32 s26, $0x1;
	_ =	strace $0x80000046;
	[dreg:$0x1] =	wrdreg $0xFFFFFFFF  }
0xa7: {  	s28 =	simm.s32 $_size_execute0_lowered;
	s3 =	sadd.s32 s3, s5;
	[dreg:$0x0] =	wrdreg $0x0  }
0xa8: {  	s5 =	sshll.u32 s28, $0x1;
	[dreg:$0x2] =	wrdreg s3  }
0xa9: {  	[dreg:$0x3] =	wrdreg s5  }
0xaa: {  	[dreg:$0x4] =	wrdreg $0xC0  }
0xab: {  	_ =	task [dreg:s7], $0x5FFFF  }
0xac: {  	[dreg:$0x1] =	wrdreg $0xFFFFFFFF  }
0xad: {  	[dreg:$0x0] =	wrdreg $0x60  }
0xae: {  	[dreg:$0x2] =	wrdreg s2  }
0xaf: {  	[dreg:$0x3] =	wrdreg s24  }
0xb0: {  	[dreg:$0x4] =	wrdreg $0x9  }
0xb1: {  	_ =	task.clear_ibuf [dreg:s7], $0x5FFFF;
	_ =	strace $0x90000046  }
0xb2: {  	s29 =	simm.s32 $0x9;
	_ =	strace $0x80000048  }
0xb3: {  	_ =	swait.ge [sflag:s29], $0x1  }
0xb4: {  	[sflag:s29] =	ssyncadd.s32 $0xFFFFFFFF  }
0xb5: {  	_ =	strace $0x90000048  }
0xb6: {  	_ =	sfence  }
0xb7: {  	s30 =	sld [smem:$0x0];
	_ =	sdelay $0x2  }
0xb8: {  	s31 =	sshll.u32 s1, $0xD;
	s1 =	sshrl.u32 s1, $0x2  }
0xb9: {  	s3 =	sand.u32 $0x4000, s31;
	s1 =	sadd.s32 s1, s30  }
0xba: {  	s0 =	sor.u32 s3, s0;
	s1 =	sshll.u32 s1, $0x11  }
0xbb: {  	s0 =	sor.u32 s1, s0  }
0xbc: {  	s0 =	sadd.s32 $0x8F2B, s0  }
0xbd: {  	[sflag:s0] =	ssyncadd.remote.s32 $0x1  }
0xbe: {  	_ =	sfence.sel $0xFFFF  }
0xbf: {  	[dreg:$0x0] =	wrdreg $0xFFFFFFFF;
	(pc) =	sbr.abs _section_cstart, $3  }
0xc0: {  	[dreg:$0x1] =	wrdreg $0xFFFFFFFF  }
0xc1: {  	_ =	task.clear_ibuf [dreg:s7], $0x2FFFF;
	_ =	strace $0x9FFFFFFF  }
0xc2: {  	(tm) =	ssettm $0x7FFFFFFF  }
0xc3: {  	_ =	shalt  }
tec
execute0_lowered:
.L_overlay_start_1:
0x0: {  	(tag) =	ssettag $0x1  }
0x1: {  	s1 =	rddreg [dreg:$0x0]  }
0x2: {  	s0 =	rddreg [dreg:$0x1];
	s2 =	srdreg.scid  }
0x3: {  	s3 =	simm.s32 $0x0;
	s4 =	stileid.u32;
	s12 =	simm.s32 $0x80  }
0x4: {  	s13 =	simm.s32 $0x1000;
	s14 =	simm.s32 $0x5;
	s15 =	simm.s32 $0x200  }
0x5: {  	s18 =	simm.s32 $0x10800;
	s19 =	simm.s32 $0x12A00;
	s20 =	simm.s32 $0x3  }
0x6: {  	s21 =	simm.s32 $0x4;
	s2 =	sand.u32 $0x1, s2;
	[smem:$0x7FF] =	sst s3  }
0x7: {  	s4 =	sshll.u32 s4, $0x8;
	s6 =	sadd.s32 $0x600, s0;
	s5 =	sshll.u32 s2, $0x7  }
0x8: {  	s9 =	sadd.s32 $0x10600, s0;
	s2 =	ssub.s32 $0x2, s2;
	s4 =	sor.u32 s5, s4  }
0x9: {  	v0 =	vlaneseq.u32;
	s10 =	sadd.s32 $0x18600, s0;
	s7 =	sshrl.u32 s2, $0x1;
	s8 =	sshrl.u32 s4, $0x3  }
0xa: {  	v0 =	vmul.u32 $0x88, v0;
	_ =	strace $0x80000047;
	s2 =	ssub.s32 s2, s7;
	s30 =	sadd.s32 s1, s8  }
0xb: {  	s5 =	sadd.s32 $0xF42A00, s0;
	s31 =	smax.u32 s2, $0x1;
	[dreg:$0x3] =	wrdreg s30  }
0xc: {  	v1 =	vadd.s32 $0x880, v0;
	v2 =	vadd.s32 $0x1100, v0;
	v3 =	vadd.s32 $0x1980, v0;
	s8 =	sadd.s32 $0x8600, s0;
	s2 =	simm.s32 $0x0;
	[dreg:$0x4] =	wrdreg s31  }
.LBB2_1:
0xd: {  	[dreg:$0x5] =	wrdreg s2  }
0xe: {  	s0 =	rddreg [dreg:$0x3]  }
0xf: {  	s28 =	simm.s32 $0x0;
	s29 =	simm.s32 $0x30;
	s31 =	simm.s32 $0x10  }
0x10: {  	[tilespmem:s3], [sflag:$0x5] =	stream.strided.gather [hbm4b:s0+s12], $0x200, s13, s12, $0x38;
	[tilespmem:$0x14C00] =	vst v63  }
0x11: {  	s17 =	simm.s32 $0x20;
	s23 =	simm.s32 $0x0;
	_ =	swait.ge [sflag:s14], $0x200  }
0x12: {  	s16 =	sand.u32 $0x180, s28;
	s30 =	sand.u32 $0x70, s29;
	[sflag:s14] =	ssyncset.done $0x0  }
0x13: {  	s2 =	sand.u32 $0x50, s31;
	s0 =	sor.u32 s30, s16;
	[sflag:s14] =	ssyncadd.s32 $0xFFFFFE00  }
0x14: {  	s17 =	sand.u32 $0x60, s17;
	s23 =	sand.u32 $0x40, s23;
	s2 =	sor.u32 s2, s16;
	v4 =	vld [tilespmem:s0+$0x0]  }
0x15: {  	s17 =	sor.u32 s17, s16;
	s16 =	sor.u32 s23, s16;
	s23 =	simm.s32 $0x0;
	v6 =	vld [tilespmem:s2+$0x0]  }
0x16: {  	s0 =	simm.s32 $0x0;
	v5 =	vld [tilespmem:s16+$0x0];
	s2 =	simm.s32 $0x100;
	s16 =	simm.s32 $0x70  }
.LBB2_2:
0x17: {  	s24 =	sshrl.u32 s2, $0x2  }
0x18: {  	s0 =	sadd.s32 $0x4, s0;
	s23 =	sshra.s32 s23, $0x2;
	v7 =	vld [tilespmem:s17+$0x0];
	s17 =	sand.u32 $0x70, s16  }
0x19: {  	s25 =	sadd.s32 $0xFFFFFFE0, s16;
	s24 =	sand.u32 $0x180, s24;
	p0 =	slt.u32 s0, $0x1C;
	[tilespmem:s23+$0x430] =	vst v4  }
.Ltmp0:
0x1a: {  	s26 =	sadd.s32 $0xFFFFFFF0, s16;
	s17 =	sor.u32 s17, s24;
	(pc) =	sbr.rel @p0 .LBB2_2-.Ltmp0, $4  }
0x1b: {  	s28 =	sadd.s32 $0xFFFFFFD0, s16;
	s25 =	sand.u32 $0x50, s25;
	s26 =	sand.u32 $0x60, s26;
	v4 =	vld [tilespmem:s17+$0x0];
	[tilespmem:s23+$0x410] =	vst v6  }
0x1c: {  	s28 =	sand.u32 $0x40, s28;
	s25 =	sor.u32 s25, s24;
	s17 =	sor.u32 s26, s24;
	[tilespmem:s23+$0x400] =	vst v5  }
0x1d: {  	s24 =	sor.u32 s28, s24;
	v6 =	vld [tilespmem:s25+$0x0];
	[tilespmem:s23+$0x420] =	vst v7;
	s23 =	smov.u32 s2  }
0x1e: {  	s16 =	sadd.s32 $0x40, s16;
	s2 =	sadd.s32 $0x100, s2;
	v5 =	vld [tilespmem:s24+$0x0]  }
0x1f: {  	v7 =	vld [tilespmem:s17+$0x0]  }
0x20: {  	s0 =	sshra.s32 s23, $0x2  }
0x21: {  	[tilespmem:s0+$0x430] =	vst v4  }
0x22: {  	[tilespmem:s0+$0x410] =	vst v6  }
0x23: {  	s31 =	simm.s32 $0x400;
	s2 =	simm.s32 $0x800;
	[tilespmem:s0+$0x400] =	vst v5  }
0x24: {  	s24 =	simm.s32 $0x0;
	p0 =	por $0x1, $0x1;
	p1 =	por $0x0, $0x0;
	[tilespmem:s0+$0x420] =	vst v7  }
0x25: {  	[tilespmem:s2], [sflag:$0x1] =	stream.indirect.gather [hbm4b:s5+s15], $0x40, s31, s15, $0xb8;
	[tilespmem:$0x14C00] =	vst v63  }
.LBB2_5:
0x26: {  	p2 =	seq.s32 s24, $0x31  }
.Ltmp1:
0x27: {  	_ = 	snop;
	(pc) =	sbr.rel @p2 .LBB2_9-.Ltmp1, $2  }
0x28: {  	_ =	sdelay $0x2  }
0x29: {  	s23 =	sadd.s32 $0x1, s24  }
0x2a: {  	s0 =	sshll.u32 s23, $0xE;
	s16 =	simm.s32 $0x1  }
0x2b: {  	s26 =	simm.s32 $0x0;
	s17 =	simm.s32 $0x0;
	s30 =	simm.s32 $0x10  }
0x2c: {  	s7 =	simm.s32 $0x0;
	s11 =	simm.s32 $0x20;
	s2 =	sor.u32 s4, s0  }
0x2d: {  	s0 =	sand.u32 $0x1, s23;
	s16 =	simm.s32 @!p0 $0x0;
	s31 =	sand.u32 $0x600, s26  }
0x2e: {  	s7 =	sand.u32 $0x40, s7;
	s30 =	sand.u32 $0x50, s30;
	s2 =	sshrl.u32 s2, $0x3  }
0x2f: {  	s25 =	sshll.u32 s0, $0x9;
	s22 =	sshll.u32 s16, $0x9;
	s2 =	sadd.s32 s1, s2  }
0x30: {  	[tilespmem:s25], [sflag:$0x5] =	stream.strided.gather [hbm4b:s2+s12], $0x200, s13, s12, $0x38;
	[tilespmem:$0x14C00] =	vst v63  }
0x31: {  	s29 =	sshrl.u32 s31, $0x2;
	s16 =	simm.s32 $0x30;
	_ =	swait.ge [sflag:s14], $0x200  }
0x32: {  	s29 =	sadd.s32 s29, s25;
	s31 =	sand.u32 $0x70, s16;
	[sflag:s14] =	ssyncset.done $0x0  }
0x33: {  	s28 =	sor.u32 $0x400, s22;
	s31 =	sadd.s32 s31, s29;
	[sflag:s14] =	ssyncadd.s32 $0xFFFFFE00  }
0x34: {  	s11 =	sand.u32 $0x60, s11;
	s2 =	sor.u32 $0x400, s25;
	s7 =	sadd.s32 s7, s29;
	v4 =	vmov s28;
	v5 =	vld [tilespmem:s31+$0x0]  }
0x35: {  	s30 =	sadd.s32 s30, s29;
	s29 =	sadd.s32 s11, s29;
	s28 =	simm.s32 $0x100;
	v6 =	vld [tilespmem:s7+$0x0]  }
.LBB2_7:
0x36: {  	s7 =	sand.u32 $0x600, s28  }
0x37: {  	s17 =	sadd.s32 $0x4, s17;
	v7 =	vld [tilespmem:s30+$0x0];
	s16 =	sadd.s32 $0x40, s16;
	s11 =	sshra.s32 s26, $0x2  }
0x38: {  	s7 =	sshrl.u32 s7, $0x2;
	p2 =	slt.u32 s17, $0x1C;
	v8 =	vld [tilespmem:s29+$0x0];
	s26 =	sadd.s32 $0xFFFFFFE0, s16  }
.Ltmp2:
0x39: {  	s29 =	sand.u32 $0x70, s16;
	s7 =	sadd.s32 s7, s25;
	[tilespmem:v4+s11+$0x30 ss:$0x1] =	vst.idx.msk $0xffff, v5;
	(pc) =	sbr.rel @p2 .LBB2_7-.Ltmp2, $4  }
0x3a: {  	s30 =	sadd.s32 $0xFFFFFFD0, s16;
	s31 =	sadd.s32 $0xFFFFFFF0, s16;
	s29 =	sadd.s32 s29, s7  }
0x3b: {  	s30 =	sand.u32 $0x40, s30;
	s26 =	sand.u32 $0x50, s26;
	s31 =	sand.u32 $0x60, s31;
	v5 =	vld [tilespmem:s29+$0x0];
	[tilespmem:v4+s11+$0x0 ss:$0x1] =	vst.idx.msk $0xffff, v6  }
0x3c: {  	s22 =	sadd.s32 s30, s7;
	s30 =	sadd.s32 s26, s7;
	s29 =	sadd.s32 s31, s7;
	[tilespmem:v4+s11+$0x10 ss:$0x1] =	vst.idx.msk $0xffff, v7  }
0x3d: {  	s26 =	smov.u32 s28;
	s28 =	sadd.s32 $0x100, s28;
	v6 =	vld [tilespmem:s22+$0x0];
	[tilespmem:v4+s11+$0x20 ss:$0x1] =	vst.idx.msk $0xffff, v8  }
0x3e: {  	_ = 	snop  }
0x3f: {  	v7 =	vld [tilespmem:s30+$0x0]  }
0x40: {  	v8 =	vld [tilespmem:s29+$0x0]  }
0x41: {  	s7 =	sshra.s32 s26, $0x2  }
0x42: {  	[tilespmem:v4+s7+$0x30 ss:$0x1] =	vst.idx.msk $0xffff, v5  }
0x43: {  	[tilespmem:v4+s7+$0x0 ss:$0x1] =	vst.idx.msk $0xffff, v6  }
0x44: {  	s11 =	sshll.u32 s0, $0xF;
	[tilespmem:v4+s7+$0x10 ss:$0x1] =	vst.idx.msk $0xffff, v7  }
0x45: {  	s31 =	sadd.s32 $0x1, s0;
	s30 =	sor.u32 $0x800, s11;
	[tilespmem:v4+s7+$0x20 ss:$0x1] =	vst.idx.msk $0xffff, v8  }
0x46: {  	[tilespmem:s30], [sflag:s31] =	stream.indirect.gather [hbm4b:s5+s15], $0x40, s2, s15, $0xb8;
	[tilespmem:$0x14C00] =	vst v63  }
.LBB2_9:
0x47: {  	s0 =	sand.u32 $0x1, s24  }
0x48: {  	s0 =	sadd.s32 $0x1, s0  }
0x49: {  	_ =	swait.ge [sflag:s0], $0x8000  }
0x4a: {  	p2 =	seq.s32 s24, $0x0;
	[sflag:s0] =	ssyncset.done $0x0  }
0x4b: {  	s2 =	simm.s32 $0x1;
	[sflag:s0] =	ssyncadd.s32 $0xFFFF8000;
	s0 =	simm.s32 @!p2 $0x3  }
0x4c: {  	s2 =	simm.s32 @!p1 $0x0;
	_ =	swait.ge @!p2 [sflag:s0], $0x2000  }
0x4d: {  	s2 =	sshll.u32 s2, $0xF;
	[sflag:s0] =	ssyncset.done @!p2 $0x0  }
0x4e: {  	s22 =	simm.s32 $0x1;
	s25 =	sor.u32 $0x840, s2;
	[sflag:s0] =	ssyncadd.s32 @!p2 $0xFFFFE000  }
0x4f: {  	v4 =	vmov s22;
	v5 =	vld [tilespmem:s25+$0x0]  }
0x50: {  	v9 =	vand.u32 $0x7F, v4  }
0x51: {  	v4 =	vadd.s32 v0, v9  }
0x52: {  	s26 =	simm.s32 $0x0  }
0x53: {  	v6 =	vmov s26;
	v7 =	vld [tilespmem:s25+$0xFFFFFFC0]  }
0x54: {  	v14 =	vand.u32 $0x7E, v6;
	v5 =	vmul.f32 $8.000000000e+00, v5  }
0x55: {  	s7 =	simm.s32 $0x3;
	v6 =	vadd.s32 v0, v14;
	s29 =	sadd.s32 $0x80, s25  }
0x56: {  	v8 =	vld [tilespmem:s29+$0x0];
	[tilespmem:v4+s18+$0x0] =	vst.idx.msk $0xffff, v5;
	v4 =	vmov s7  }
0x57: {  	v4 =	vand.u32 $0x7F, v4;
	v10 =	vld [tilespmem:s25+$0x10]  }
0x58: {  	v5 =	vmul.f32 $8.000000000e+00, v7;
	v7 =	vadd.s32 v0, v4  }
0x59: {  	s11 =	simm.s32 $0x2;
	v11 =	vadd.s32 v1, v9  }
0x5a: {  	v12 =	vld [tilespmem:s29+$0xFFFFFFC0];
	[tilespmem:v6+s18+$0x0] =	vst.idx.msk $0xffff, v5;
	v5 =	vmov s11  }
0x5b: {  	v6 =	vmul.f32 $8.000000000e+00, v8;
	v5 =	vand.u32 $0x7E, v5;
	v8 =	vld [tilespmem:s25+$0xFFFFFFD0]  }
0x5c: {  	s16 =	simm.s32 $0x5;
	s30 =	sadd.s32 $0x80, s29;
	v13 =	vadd.s32 v0, v5;
	v10 =	vmul.f32 $8.000000000e+00, v10  }
0x5d: {  	v15 =	vld [tilespmem:s30+$0x0];
	[tilespmem:v7+s18+$0x0] =	vst.idx.msk $0xffff, v6;
	v7 =	vadd.s32 v1, v14;
	v6 =	vmov s16  }
0x5e: {  	[tilespmem:v11+s18+$0x0] =	vst.idx.msk $0xffff, v10;
	v6 =	vand.u32 $0x7F, v6;
	v10 =	vld [tilespmem:s29+$0x10]  }
0x5f: {  	v11 =	vmul.f32 $8.000000000e+00, v12;
	v12 =	vadd.s32 v0, v6;
	v16 =	vld [tilespmem:s25+$0x20]  }
0x60: {  	s17 =	simm.s32 $0x4;
	v17 =	vadd.s32 v1, v4;
	v8 =	vmul.f32 $8.000000000e+00, v8  }
0x61: {  	v18 =	vadd.s32 v2, v9;
	[tilespmem:v13+s18+$0x0] =	vst.idx.msk $0xffff, v11;
	v11 =	vmov s17;
	v13 =	vld [tilespmem:s30+$0xFFFFFFC0]  }
0x62: {  	[tilespmem:v7+s18+$0x0] =	vst.idx.msk $0xffff, v8;
	v7 =	vand.u32 $0x7E, v11;
	v8 =	vmul.f32 $8.000000000e+00, v15;
	v11 =	vld [tilespmem:s29+$0xFFFFFFD0]  }
0x63: {  	s22 =	simm.s32 $0x7;
	s31 =	sadd.s32 $0x80, s30;
	v15 =	vadd.s32 v0, v7;
	v10 =	vmul.f32 $8.000000000e+00, v10;
	v19 =	vld [tilespmem:s25+$0xFFFFFFE0]  }
0x64: {  	v20 =	vld [tilespmem:s31+$0x0];
	[tilespmem:v12+s18+$0x0] =	vst.idx.msk $0xffff, v8;
	v12 =	vadd.s32 v1, v5;
	v16 =	vmul.f32 $8.000000000e+00, v16;
	v8 =	vmov s22  }
0x65: {  	[tilespmem:v17+s18+$0x0] =	vst.idx.msk $0xffff, v10;
	v10 =	vadd.s32 v2, v14;
	v8 =	vand.u32 $0x7F, v8;
	v17 =	vld [tilespmem:s30+$0x10]  }
0x66: {  	v13 =	vmul.f32 $8.000000000e+00, v13;
	[tilespmem:v18+s18+$0x0] =	vst.idx.msk $0xffff, v16;
	v16 =	vadd.s32 v0, v8;
	v18 =	vld [tilespmem:s29+$0x20]  }
0x67: {  	s26 =	simm.s32 $0x6;
	v21 =	vadd.s32 v1, v6;
	v11 =	vmul.f32 $8.000000000e+00, v11;
	v22 =	vld [tilespmem:s25+$0x30]  }
0x68: {  	v23 =	vadd.s32 v2, v4;
	[tilespmem:v15+s18+$0x0] =	vst.idx.msk $0xffff, v13;
	v13 =	vmul.f32 $8.000000000e+00, v19;
	v19 =	vld [tilespmem:s31+$0xFFFFFFC0];
	v15 =	vmov s26  }
0x69: {  	v25 =	vadd.s32 v3, v9;
	[tilespmem:v12+s18+$0x0] =	vst.idx.msk $0xffff, v11;
	v12 =	vmul.f32 $8.000000000e+00, v20;
	v24 =	vld [tilespmem:s30+$0xFFFFFFD0];
	v9 =	vand.u32 $0x7E, v15  }
0x6a: {  	[tilespmem:v10+s18+$0x0] =	vst.idx.msk $0xffff, v13;
	v10 =	vmul.f32 $8.000000000e+00, v17;
	v11 =	vld [tilespmem:s29+$0xFFFFFFE0];
	v17 =	vadd.s32 v0, v9  }
0x6b: {  	s0 =	sadd.s32 $0x80, s31;
	s7 =	simm.s32 $0x9;
	v15 =	vadd.s32 v1, v7;
	[tilespmem:v16+s18+$0x0] =	vst.idx.msk $0xffff, v12;
	v16 =	vmul.f32 $8.000000000e+00, v18;
	v12 =	vld [tilespmem:s25+$0xFFFFFFF0]  }
0x6c: {  	s24 =	sshll.u32 s24, $0x14;
	v20 =	vmov s7;
	v13 =	vadd.s32 v2, v5;
	v18 =	vld [tilespmem:s0+$0x0];
	[tilespmem:v21+s18+$0x0] =	vst.idx.msk $0xffff, v10;
	v26 =	vmul.f32 $8.000000000e+00, v22  }
0x6d: {  	s28 =	sor.u32 $0x2870, s2;
	s16 =	simm.s32 $0xA;
	s17 =	simm.s32 $0x8;
	v14 =	vadd.s32 v3, v14;
	v10 =	vand.u32 $0x7F, v20;
	v22 =	vmul.f32 $8.000000000e+00, v19;
	v19 =	vld [tilespmem:s31+$0x10];
	[tilespmem:v23+s18+$0x0] =	vst.idx.msk $0xffff, v16  }
0x6e: {  	s26 =	sor.u32 $0x4800, s2;
	s25 =	sor.u32 $0x6800, s2;
	s2 =	smov.u32 s0;
	v20 =	vadd.s32 v0, v10;
	v16 =	vld [tilespmem:s30+$0x20];
	v21 =	vmul.f32 $8.000000000e+00, v24;
	[tilespmem:v25+s18+$0x0] =	vst.idx.msk $0xffff, v26  }
.LBB2_10:
0x6f: {  	p3 =	slt.u32 s16, $0x7E;
	[tilespmem:v17+s18+$0x0] =	vst.idx.msk $0xffff, v22;
	v22 =	vadd.s32 v1, v8;
	v11 =	vmul.f32 $8.000000000e+00, v11;
	v23 =	vld [tilespmem:s29+$0x30]  }
0x70: {  	v17 =	vmov s17;
	s17 =	smov.u32 s16;
	v24 =	vld [tilespmem:s0+$0xFFFFFFC0];
	[tilespmem:v15+s18+$0x0] =	vst.idx.msk $0xffff, v21;
	v21 =	vadd.s32 v2, v6;
	v12 =	vmul.f32 $8.000000000e+00, v12  }
0x71: {  	v27 =	vadd.s32 v3, v4;
	v4 =	vmovc v6;
	v25 =	vand.u32 $0x7E, v17;
	v15 =	vmul.f32 $8.000000000e+00, v18;
	v26 =	vld [tilespmem:s31+$0xFFFFFFD0];
	[tilespmem:v13+s18+$0x0] =	vst.idx.msk $0xffff, v11  }
.Ltmp3:
0x72: {  	v6 =	vmovc v8;
	v8 =	vmov v10;
	v17 =	vadd.s32 v0, v25;
	v13 =	vmul.f32 $8.000000000e+00, v19;
	v11 =	vld [tilespmem:s30+$0xFFFFFFE0];
	[tilespmem:v14+s18+$0x0] =	vst.idx.msk $0xffff, v12;
	(pc) =	sbr.rel @p3 .LBB2_10-.Ltmp3, $4  }
0x73: {  	s7 =	sadd.s32 $0x1, s16;
	s0 =	sadd.s32 $0x80, s0;
	[tilespmem:v20+s18+$0x0] =	vst.idx.msk $0xffff, v15;
	v15 =	vadd.s32 v1, v9;
	v14 =	vmul.f32 $8.000000000e+00, v16;
	v12 =	vld [tilespmem:s29+$0xFFFFFFF0];
	s29 =	smov.u32 s30  }
0x74: {  	v10 =	vmov s7;
	s30 =	smov.u32 s31;
	s31 =	smov.u32 s2;
	s2 =	smov.u32 s0;
	v18 =	vld [tilespmem:s0+$0x0];
	[tilespmem:v22+s18+$0x0] =	vst.idx.msk $0xffff, v13;
	v13 =	vadd.s32 v2, v7;
	v23 =	vmul.f32 $8.000000000e+00, v23  }
0x75: {  	v10 =	vand.u32 $0x7F, v10;
	v22 =	vmul.f32 $8.000000000e+00, v24;
	v19 =	vld [tilespmem:s31+$0x10];
	[tilespmem:v21+s18+$0x0] =	vst.idx.msk $0xffff, v14;
	v14 =	vadd.s32 v3, v5;
	v5 =	vmovc v7  }
0x76: {  	s16 =	sadd.s32 $0x2, s16;
	v20 =	vadd.s32 v0, v10;
	v7 =	vmovc v9;
	v9 =	vmov v25;
	v21 =	vmul.f32 $8.000000000e+00, v26;
	v16 =	vld [tilespmem:s30+$0x20];
	[tilespmem:v27+s18+$0x0] =	vst.idx.msk $0xffff, v23  }
0x77: {  	v23 =	vmov s17;
	v24 =	vld [tilespmem:s0+$0xFFFFFFC0]  }
0x78: {  	v23 =	vand.u32 $0x7E, v23  }
0x79: {  	v25 =	vadd.s32 v0, v23;
	_ =	sdelay $0x1  }
0x7a: {  	v18 =	vmul.f32 $8.000000000e+00, v18  }
0x7b: {  	[tilespmem:v17+s18+$0x0] =	vst.idx.msk $0xffff, v22;
	v62 =	vmul.f32 $8.000000000e+00, v24  }
0x7c: {  	v22 =	vld [tilespmem:s31+$0xFFFFFFD0];
	[tilespmem:v20+s18+$0x0] =	vst.idx.msk $0xffff, v18  }
0x7d: {  	v63 =	vadd.s32 v1, v8;
	v20 =	vld [tilespmem:s2+$0x10];
	[tilespmem:v25+s18+$0x0] =	vst.idx.msk $0xffff, v62  }
0x7e: {  	v28 =	vadd.s32 v1, v9;
	v29 =	vld [tilespmem:s2+$0xFFFFFFD0]  }
0x7f: {  	v30 =	vadd.s32 v1, v10  }
0x80: {  	v26 =	vadd.s32 v1, v23;
	v19 =	vmul.f32 $8.000000000e+00, v19  }
0x81: {  	[tilespmem:v15+s18+$0x0] =	vst.idx.msk $0xffff, v21;
	v31 =	vmul.f32 $8.000000000e+00, v22  }
0x82: {  	v32 =	vld [tilespmem:s30+$0xFFFFFFE0];
	[tilespmem:v63+s18+$0x0] =	vst.idx.msk $0xffff, v19;
	v33 =	vmul.f32 $8.000000000e+00, v20  }
0x83: {  	v34 =	vadd.s32 v2, v6;
	v35 =	vld [tilespmem:s31+$0x20];
	[tilespmem:v28+s18+$0x0] =	vst.idx.msk $0xffff, v31;
	v36 =	vmul.f32 $8.000000000e+00, v29  }
0x84: {  	v11 =	vmul.f32 $8.000000000e+00, v11;
	v37 =	vadd.s32 v2, v7;
	v38 =	vld [tilespmem:s31+$0xFFFFFFE0];
	[tilespmem:v30+s18+$0x0] =	vst.idx.msk $0xffff, v33  }
0x85: {  	v39 =	vadd.s32 v2, v8;
	v12 =	vmul.f32 $8.000000000e+00, v12;
	v40 =	vld [tilespmem:s2+$0x20];
	[tilespmem:v26+s18+$0x0] =	vst.idx.msk $0xffff, v36  }
0x86: {  	v42 =	vadd.s32 v2, v9;
	[tilespmem:v13+s18+$0x0] =	vst.idx.msk $0xffff, v11;
	v41 =	vmul.f32 $8.000000000e+00, v16;
	v43 =	vld [tilespmem:s2+$0xFFFFFFE0]  }
0x87: {  	v44 =	vld [tilespmem:s29+$0x30];
	v46 =	vadd.s32 v2, v10;
	[tilespmem:v14+s18+$0x0] =	vst.idx.msk $0xffff, v12;
	v45 =	vmul.f32 $8.000000000e+00, v32  }
0x88: {  	v49 =	vadd.s32 v2, v23;
	v47 =	vld [tilespmem:s29+$0xFFFFFFF0];
	[tilespmem:v34+s18+$0x0] =	vst.idx.msk $0xffff, v41;
	v48 =	vmul.f32 $8.000000000e+00, v35  }
0x89: {  	v4 =	vadd.s32 v3, v4;
	[tilespmem:v37+s18+$0x0] =	vst.idx.msk $0xffff, v45;
	v20 =	vld [tilespmem:s30+$0x30];
	v50 =	vmul.f32 $8.000000000e+00, v38  }
0x8a: {  	v5 =	vadd.s32 v3, v5;
	v51 =	vld [tilespmem:s30+$0xFFFFFFF0];
	[tilespmem:v39+s18+$0x0] =	vst.idx.msk $0xffff, v48;
	v52 =	vmul.f32 $8.000000000e+00, v40  }
0x8b: {  	v53 =	vadd.s32 v3, v6;
	v54 =	vld [tilespmem:s31+$0x30];
	[tilespmem:v42+s18+$0x0] =	vst.idx.msk $0xffff, v50;
	v55 =	vmul.f32 $8.000000000e+00, v43  }
0x8c: {  	v57 =	vadd.s32 v3, v7;
	v56 =	vmul.f32 $8.000000000e+00, v44;
	v58 =	vld [tilespmem:s31+$0xFFFFFFF0];
	[tilespmem:v46+s18+$0x0] =	vst.idx.msk $0xffff, v52  }
0x8d: {  	v60 =	vadd.s32 v3, v8;
	v59 =	vmul.f32 $8.000000000e+00, v47;
	v14 =	vld [tilespmem:s2+$0x30];
	[tilespmem:v49+s18+$0x0] =	vst.idx.msk $0xffff, v55  }
0x8e: {  	v61 =	vadd.s32 v3, v9;
	[tilespmem:v4+s18+$0x0] =	vst.idx.msk $0xffff, v56;
	v4 =	vmul.f32 $8.000000000e+00, v20;
	v12 =	vld [tilespmem:s2+$0xFFFFFFF0]  }
0x8f: {  	v62 =	vadd.s32 v3, v10;
	[tilespmem:v5+s18+$0x0] =	vst.idx.msk $0xffff, v59;
	v5 =	vmul.f32 $8.000000000e+00, v51  }
0x90: {  	v63 =	vadd.s32 v3, v23;
	[tilespmem:v53+s18+$0x0] =	vst.idx.msk $0xffff, v4;
	v4 =	vmul.f32 $8.000000000e+00, v54  }
0x91: {  	[tilespmem:v57+s18+$0x0] =	vst.idx.msk $0xffff, v5;
	v5 =	vmul.f32 $8.000000000e+00, v58  }
0x92: {  	s31 =	sor.u32 s4, s24;
	[tilespmem:v60+s18+$0x0] =	vst.idx.msk $0xffff, v4;
	v4 =	vmul.f32 $8.000000000e+00, v14  }
0x93: {  	s24 =	sshrl.u32 s31, $0x3;
	[tilespmem:v61+s18+$0x0] =	vst.idx.msk $0xffff, v5;
	v5 =	vmul.f32 $8.000000000e+00, v12  }
0x94: {  	s16 =	simm.s32 $0x200;
	s0 =	sadd.s32 s6, s24;
	[tilespmem:v62+s18+$0x0] =	vst.idx.msk $0xffff, v4  }
0x95: {  	s17 =	simm.s32 $0x10888;
	s29 =	sadd.s32 $0x0, s0;
	s2 =	simm.s32 $0x10800;
	[tilespmem:v63+s18+$0x0] =	vst.idx.msk $0xffff, v5  }
.LBB2_12:
0x96: {  	[hbm4b:s29+s3] =	stream.linear.scatter [tilespmem:s2], [sflag:$0x3], $0x80, $0x38;
	[tilespmem:$0x14C00] =	vst v63  }
0x97: {  	s7 =	smov.u32 s16;
	s2 =	smov.u32 s17;
	p3 =	sne.s32 s16, $0x7E00  }
.Ltmp4:
0x98: {  	s16 =	sadd.s32 $0x200, s16;
	(pc) =	sbr.rel @p3 .LBB2_12-.Ltmp4, $2  }
0x99: {  	_ =	sdelay $0x2  }
0x9a: {  	s17 =	sadd.s32 $0x88, s17;
	s29 =	sadd.s32 s7, s0  }
0x9b: {  	[hbm4b:s29+s3] =	stream.linear.scatter [tilespmem:s2], [sflag:$0x3], $0x80, $0x38;
	[tilespmem:$0x14C00] =	vst v63  }
0x9c: {  	s0 =	simm.s32 @!p2 $0x4  }
0x9d: {  	_ =	swait.ge @!p2 [sflag:s0], $0x2000  }
0x9e: {  	[sflag:s0] =	ssyncset.done @!p2 $0x0  }
0x9f: {  	s16 =	simm.s32 $0x1;
	[sflag:s0] =	ssyncadd.s32 @!p2 $0xFFFFE000  }
0xa0: {  	v4 =	vmov s16;
	v5 =	vld [tilespmem:s28+$0xFFFFFFD0]  }
0xa1: {  	v9 =	vand.u32 $0x7F, v4  }
0xa2: {  	v4 =	vadd.s32 v0, v9  }
0xa3: {  	s17 =	simm.s32 $0x0  }
0xa4: {  	v6 =	vmov s17;
	v7 =	vld [tilespmem:s28+$0xFFFFFF90]  }
0xa5: {  	v14 =	vand.u32 $0x7E, v6;
	v5 =	vmul.f32 $8.000000000e+00, v5  }
0xa6: {  	s22 =	simm.s32 $0x3;
	s29 =	sadd.s32 $0x80, s28;
	v6 =	vadd.s32 v0, v14  }
0xa7: {  	v8 =	vld [tilespmem:s29+$0xFFFFFFD0];
	[tilespmem:v4+s19+$0x0] =	vst.idx.msk $0xffff, v5;
	v4 =	vmov s22  }
0xa8: {  	v4 =	vand.u32 $0x7F, v4;
	v10 =	vld [tilespmem:s28+$0xFFFFFFE0]  }
0xa9: {  	v5 =	vmul.f32 $8.000000000e+00, v7;
	v7 =	vadd.s32 v0, v4  }
0xaa: {  	s2 =	simm.s32 $0x2;
	v11 =	vadd.s32 v1, v9  }
0xab: {  	v12 =	vld [tilespmem:s29+$0xFFFFFF90];
	[tilespmem:v6+s19+$0x0] =	vst.idx.msk $0xffff, v5;
	v5 =	vmov s2  }
0xac: {  	v6 =	vmul.f32 $8.000000000e+00, v8;
	v5 =	vand.u32 $0x7E, v5;
	v8 =	vld [tilespmem:s28+$0xFFFFFFA0]  }
0xad: {  	s7 =	simm.s32 $0x5;
	s30 =	sadd.s32 $0x80, s29;
	v13 =	vadd.s32 v0, v5;
	v10 =	vmul.f32 $8.000000000e+00, v10  }
0xae: {  	v15 =	vld [tilespmem:s30+$0xFFFFFFD0];
	[tilespmem:v7+s19+$0x0] =	vst.idx.msk $0xffff, v6;
	v7 =	vadd.s32 v1, v14;
	v6 =	vmov s7  }
0xaf: {  	[tilespmem:v11+s19+$0x0] =	vst.idx.msk $0xffff, v10;
	v6 =	vand.u32 $0x7F, v6;
	v10 =	vld [tilespmem:s29+$0xFFFFFFE0]  }
0xb0: {  	v11 =	vmul.f32 $8.000000000e+00, v12;
	v12 =	vadd.s32 v0, v6;
	v16 =	vld [tilespmem:s28+$0xFFFFFFF0]  }
0xb1: {  	s11 =	simm.s32 $0x4;
	v17 =	vadd.s32 v1, v4;
	v8 =	vmul.f32 $8.000000000e+00, v8  }
0xb2: {  	v18 =	vadd.s32 v2, v9;
	[tilespmem:v13+s19+$0x0] =	vst.idx.msk $0xffff, v11;
	v11 =	vmov s11;
	v13 =	vld [tilespmem:s30+$0xFFFFFF90]  }
0xb3: {  	[tilespmem:v7+s19+$0x0] =	vst.idx.msk $0xffff, v8;
	v7 =	vand.u32 $0x7E, v11;
	v8 =	vmul.f32 $8.000000000e+00, v15;
	v11 =	vld [tilespmem:s29+$0xFFFFFFA0]  }
0xb4: {  	s16 =	simm.s32 $0x7;
	s31 =	sadd.s32 $0x80, s30;
	v15 =	vadd.s32 v0, v7;
	v10 =	vmul.f32 $8.000000000e+00, v10;
	v19 =	vld [tilespmem:s28+$0xFFFFFFB0]  }
0xb5: {  	v20 =	vld [tilespmem:s31+$0xFFFFFFD0];
	[tilespmem:v12+s19+$0x0] =	vst.idx.msk $0xffff, v8;
	v12 =	vadd.s32 v1, v5;
	v16 =	vmul.f32 $8.000000000e+00, v16;
	v8 =	vmov s16  }
0xb6: {  	[tilespmem:v17+s19+$0x0] =	vst.idx.msk $0xffff, v10;
	v10 =	vadd.s32 v2, v14;
	v8 =	vand.u32 $0x7F, v8;
	v17 =	vld [tilespmem:s30+$0xFFFFFFE0]  }
0xb7: {  	v13 =	vmul.f32 $8.000000000e+00, v13;
	[tilespmem:v18+s19+$0x0] =	vst.idx.msk $0xffff, v16;
	v16 =	vadd.s32 v0, v8;
	v18 =	vld [tilespmem:s29+$0xFFFFFFF0]  }
0xb8: {  	s17 =	simm.s32 $0x6;
	v21 =	vadd.s32 v1, v6;
	v11 =	vmul.f32 $8.000000000e+00, v11;
	v22 =	vld [tilespmem:s28+$0x0]  }
0xb9: {  	v23 =	vadd.s32 v2, v4;
	[tilespmem:v15+s19+$0x0] =	vst.idx.msk $0xffff, v13;
	v13 =	vmul.f32 $8.000000000e+00, v19;
	v15 =	vld [tilespmem:s31+$0xFFFFFF90];
	v19 =	vmov s17  }
0xba: {  	v25 =	vadd.s32 v3, v9;
	[tilespmem:v12+s19+$0x0] =	vst.idx.msk $0xffff, v11;
	v12 =	vmul.f32 $8.000000000e+00, v20;
	v24 =	vld [tilespmem:s30+$0xFFFFFFA0];
	v9 =	vand.u32 $0x7E, v19  }
0xbb: {  	[tilespmem:v10+s19+$0x0] =	vst.idx.msk $0xffff, v13;
	v10 =	vmul.f32 $8.000000000e+00, v17;
	v11 =	vld [tilespmem:s29+$0xFFFFFFB0];
	v17 =	vadd.s32 v0, v9  }
0xbc: {  	s22 =	simm.s32 $0x9;
	s2 =	sadd.s32 $0x80, s31;
	[tilespmem:v16+s19+$0x0] =	vst.idx.msk $0xffff, v12;
	v20 =	vmul.f32 $8.000000000e+00, v18;
	v12 =	vld [tilespmem:s28+$0xFFFFFFC0];
	v16 =	vadd.s32 v1, v7  }
0xbd: {  	v19 =	vld [tilespmem:s2+$0xFFFFFFD0];
	v13 =	vadd.s32 v2, v5;
	v18 =	vmov s22;
	[tilespmem:v21+s19+$0x0] =	vst.idx.msk $0xffff, v10;
	v26 =	vmul.f32 $8.000000000e+00, v22  }
0xbe: {  	v14 =	vadd.s32 v3, v14;
	v10 =	vand.u32 $0x7F, v18;
	v18 =	vld [tilespmem:s31+$0xFFFFFFE0];
	v22 =	vmul.f32 $8.000000000e+00, v15;
	[tilespmem:v23+s19+$0x0] =	vst.idx.msk $0xffff, v20  }
0xbf: {  	s0 =	smov.u32 s2;
	s16 =	simm.s32 $0xA;
	s17 =	simm.s32 $0x8;
	v20 =	vadd.s32 v0, v10;
	v15 =	vld [tilespmem:s30+$0xFFFFFFF0];
	v21 =	vmul.f32 $8.000000000e+00, v24;
	[tilespmem:v25+s19+$0x0] =	vst.idx.msk $0xffff, v26  }
.LBB2_14:
0xc0: {  	p2 =	slt.u32 s16, $0x7E;
	[tilespmem:v17+s19+$0x0] =	vst.idx.msk $0xffff, v22;
	v22 =	vadd.s32 v1, v8;
	v11 =	vmul.f32 $8.000000000e+00, v11;
	v23 =	vld [tilespmem:s29+$0x0]  }
0xc1: {  	v17 =	vmov s17;
	s17 =	smov.u32 s16;
	v24 =	vld [tilespmem:s2+$0xFFFFFF90];
	[tilespmem:v16+s19+$0x0] =	vst.idx.msk $0xffff, v21;
	v21 =	vadd.s32 v2, v6;
	v12 =	vmul.f32 $8.000000000e+00, v12  }
0xc2: {  	v27 =	vadd.s32 v3, v4;
	v4 =	vmovc v6;
	v25 =	vand.u32 $0x7E, v17;
	v16 =	vmul.f32 $8.000000000e+00, v19;
	v26 =	vld [tilespmem:s31+$0xFFFFFFA0];
	[tilespmem:v13+s19+$0x0] =	vst.idx.msk $0xffff, v11  }
.Ltmp5:
0xc3: {  	v6 =	vmovc v8;
	v8 =	vmov v10;
	v17 =	vadd.s32 v0, v25;
	v13 =	vmul.f32 $8.000000000e+00, v18;
	v11 =	vld [tilespmem:s30+$0xFFFFFFB0];
	[tilespmem:v14+s19+$0x0] =	vst.idx.msk $0xffff, v12;
	(pc) =	sbr.rel @p2 .LBB2_14-.Ltmp5, $4  }
0xc4: {  	s7 =	sadd.s32 $0x1, s16;
	s2 =	sadd.s32 $0x80, s2;
	[tilespmem:v20+s19+$0x0] =	vst.idx.msk $0xffff, v16;
	v16 =	vadd.s32 v1, v9;
	v14 =	vmul.f32 $8.000000000e+00, v15;
	v12 =	vld [tilespmem:s29+$0xFFFFFFC0];
	s29 =	smov.u32 s30  }
0xc5: {  	v10 =	vmov s7;
	s30 =	smov.u32 s31;
	s31 =	smov.u32 s0;
	s0 =	smov.u32 s2;
	v19 =	vld [tilespmem:s2+$0xFFFFFFD0];
	[tilespmem:v22+s19+$0x0] =	vst.idx.msk $0xffff, v13;
	v13 =	vadd.s32 v2, v7;
	v23 =	vmul.f32 $8.000000000e+00, v23  }
0xc6: {  	v10 =	vand.u32 $0x7F, v10;
	v22 =	vmul.f32 $8.000000000e+00, v24;
	v18 =	vld [tilespmem:s31+$0xFFFFFFE0];
	[tilespmem:v21+s19+$0x0] =	vst.idx.msk $0xffff, v14;
	v14 =	vadd.s32 v3, v5;
	v5 =	vmovc v7  }
0xc7: {  	s16 =	sadd.s32 $0x2, s16;
	v20 =	vadd.s32 v0, v10;
	v7 =	vmovc v9;
	v9 =	vmov v25;
	v21 =	vmul.f32 $8.000000000e+00, v26;
	v15 =	vld [tilespmem:s30+$0xFFFFFFF0];
	[tilespmem:v27+s19+$0x0] =	vst.idx.msk $0xffff, v23  }
0xc8: {  	v23 =	vmov s17;
	v24 =	vld [tilespmem:s2+$0xFFFFFF90]  }
0xc9: {  	v23 =	vand.u32 $0x7E, v23  }
0xca: {  	v25 =	vadd.s32 v0, v23;
	_ =	sdelay $0x1  }
0xcb: {  	v19 =	vmul.f32 $8.000000000e+00, v19  }
0xcc: {  	[tilespmem:v17+s19+$0x0] =	vst.idx.msk $0xffff, v22;
	v62 =	vmul.f32 $8.000000000e+00, v24  }
0xcd: {  	v22 =	vld [tilespmem:s31+$0xFFFFFFA0];
	[tilespmem:v20+s19+$0x0] =	vst.idx.msk $0xffff, v19  }
0xce: {  	v63 =	vadd.s32 v1, v8;
	v20 =	vld [tilespmem:s0+$0xFFFFFFE0];
	[tilespmem:v25+s19+$0x0] =	vst.idx.msk $0xffff, v62  }
0xcf: {  	v28 =	vadd.s32 v1, v9;
	v29 =	vld [tilespmem:s0+$0xFFFFFFA0]  }
0xd0: {  	v30 =	vadd.s32 v1, v10  }
0xd1: {  	v26 =	vadd.s32 v1, v23;
	v18 =	vmul.f32 $8.000000000e+00, v18  }
0xd2: {  	[tilespmem:v16+s19+$0x0] =	vst.idx.msk $0xffff, v21;
	v31 =	vmul.f32 $8.000000000e+00, v22  }
0xd3: {  	v32 =	vld [tilespmem:s30+$0xFFFFFFB0];
	[tilespmem:v63+s19+$0x0] =	vst.idx.msk $0xffff, v18;
	v33 =	vmul.f32 $8.000000000e+00, v20  }
0xd4: {  	v34 =	vadd.s32 v2, v6;
	v35 =	vld [tilespmem:s31+$0xFFFFFFF0];
	[tilespmem:v28+s19+$0x0] =	vst.idx.msk $0xffff, v31;
	v36 =	vmul.f32 $8.000000000e+00, v29  }
0xd5: {  	v11 =	vmul.f32 $8.000000000e+00, v11;
	v37 =	vadd.s32 v2, v7;
	v38 =	vld [tilespmem:s31+$0xFFFFFFB0];
	[tilespmem:v30+s19+$0x0] =	vst.idx.msk $0xffff, v33  }
0xd6: {  	v39 =	vadd.s32 v2, v8;
	v12 =	vmul.f32 $8.000000000e+00, v12;
	v40 =	vld [tilespmem:s0+$0xFFFFFFF0];
	[tilespmem:v26+s19+$0x0] =	vst.idx.msk $0xffff, v36  }
0xd7: {  	v42 =	vadd.s32 v2, v9;
	[tilespmem:v13+s19+$0x0] =	vst.idx.msk $0xffff, v11;
	v41 =	vmul.f32 $8.000000000e+00, v15;
	v43 =	vld [tilespmem:s0+$0xFFFFFFB0]  }
0xd8: {  	v44 =	vld [tilespmem:s29+$0x0];
	v46 =	vadd.s32 v2, v10;
	[tilespmem:v14+s19+$0x0] =	vst.idx.msk $0xffff, v12;
	v45 =	vmul.f32 $8.000000000e+00, v32  }
0xd9: {  	v49 =	vadd.s32 v2, v23;
	v47 =	vld [tilespmem:s29+$0xFFFFFFC0];
	[tilespmem:v34+s19+$0x0] =	vst.idx.msk $0xffff, v41;
	v48 =	vmul.f32 $8.000000000e+00, v35  }
0xda: {  	v4 =	vadd.s32 v3, v4;
	[tilespmem:v37+s19+$0x0] =	vst.idx.msk $0xffff, v45;
	v20 =	vld [tilespmem:s30+$0x0];
	v50 =	vmul.f32 $8.000000000e+00, v38  }
0xdb: {  	v5 =	vadd.s32 v3, v5;
	v51 =	vld [tilespmem:s30+$0xFFFFFFC0];
	[tilespmem:v39+s19+$0x0] =	vst.idx.msk $0xffff, v48;
	v52 =	vmul.f32 $8.000000000e+00, v40  }
0xdc: {  	v53 =	vadd.s32 v3, v6;
	v54 =	vld [tilespmem:s31+$0x0];
	[tilespmem:v42+s19+$0x0] =	vst.idx.msk $0xffff, v50;
	v55 =	vmul.f32 $8.000000000e+00, v43  }
0xdd: {  	v57 =	vadd.s32 v3, v7;
	v56 =	vmul.f32 $8.000000000e+00, v44;
	v58 =	vld [tilespmem:s31+$0xFFFFFFC0];
	[tilespmem:v46+s19+$0x0] =	vst.idx.msk $0xffff, v52  }
0xde: {  	v60 =	vadd.s32 v3, v8;
	v59 =	vmul.f32 $8.000000000e+00, v47;
	v14 =	vld [tilespmem:s0+$0x0];
	[tilespmem:v49+s19+$0x0] =	vst.idx.msk $0xffff, v55  }
0xdf: {  	v61 =	vadd.s32 v3, v9;
	[tilespmem:v4+s19+$0x0] =	vst.idx.msk $0xffff, v56;
	v4 =	vmul.f32 $8.000000000e+00, v20;
	v12 =	vld [tilespmem:s0+$0xFFFFFFC0]  }
0xe0: {  	v62 =	vadd.s32 v3, v10;
	[tilespmem:v5+s19+$0x0] =	vst.idx.msk $0xffff, v59;
	v5 =	vmul.f32 $8.000000000e+00, v51  }
0xe1: {  	v63 =	vadd.s32 v3, v23;
	[tilespmem:v53+s19+$0x0] =	vst.idx.msk $0xffff, v4;
	v4 =	vmul.f32 $8.000000000e+00, v54  }
0xe2: {  	[tilespmem:v57+s19+$0x0] =	vst.idx.msk $0xffff, v5;
	v5 =	vmul.f32 $8.000000000e+00, v58  }
0xe3: {  	[tilespmem:v60+s19+$0x0] =	vst.idx.msk $0xffff, v4;
	v4 =	vmul.f32 $8.000000000e+00, v14  }
0xe4: {  	[tilespmem:v61+s19+$0x0] =	vst.idx.msk $0xffff, v5;
	v5 =	vmul.f32 $8.000000000e+00, v12  }
0xe5: {  	s2 =	simm.s32 $0x12A00;
	s0 =	sadd.s32 s24, s8;
	[tilespmem:v62+s19+$0x0] =	vst.idx.msk $0xffff, v4  }
0xe6: {  	s16 =	simm.s32 $0x200;
	s17 =	simm.s32 $0x12A88;
	s28 =	sadd.s32 $0x0, s0;
	[tilespmem:v63+s19+$0x0] =	vst.idx.msk $0xffff, v5  }
.LBB2_16:
0xe7: {  	[hbm4b:s28+s3] =	stream.linear.scatter [tilespmem:s2], [sflag:$0x4], $0x80, $0x38;
	[tilespmem:$0x14C00] =	vst v63  }
0xe8: {  	s7 =	smov.u32 s16;
	s2 =	smov.u32 s17;
	p2 =	sne.s32 s16, $0x7E00  }
.Ltmp6:
0xe9: {  	s16 =	sadd.s32 $0x200, s16;
	(pc) =	sbr.rel @p2 .LBB2_16-.Ltmp6, $2  }
0xea: {  	_ =	sdelay $0x2  }
0xeb: {  	s17 =	sadd.s32 $0x88, s17;
	s28 =	sadd.s32 s7, s0  }
0xec: {  	[hbm4b:s28+s3] =	stream.linear.scatter [tilespmem:s2], [sflag:$0x4], $0x80, $0x38;
	[tilespmem:$0x14C00] =	vst v63  }
0xed: {  	_ =	swait.ge [sflag:s20], $0x2000  }
0xee: {  	[sflag:s20] =	ssyncset.done $0x0  }
0xef: {  	s0 =	simm.s32 $0x1;
	[sflag:s20] =	ssyncadd.s32 $0xFFFFE000  }
0xf0: {  	v4 =	vmov s0;
	v5 =	vld [tilespmem:s26+$0x40]  }
0xf1: {  	v9 =	vand.u32 $0x7F, v4  }
0xf2: {  	v4 =	vadd.s32 v0, v9  }
0xf3: {  	s31 =	simm.s32 $0x0  }
0xf4: {  	v6 =	vmov s31;
	v7 =	vld [tilespmem:s26+$0x0]  }
0xf5: {  	v14 =	vand.u32 $0x7E, v6;
	v5 =	vmul.f32 $8.000000000e+00, v5  }
0xf6: {  	s2 =	simm.s32 $0x3;
	s28 =	sadd.s32 $0x80, s26;
	v6 =	vadd.s32 v0, v14  }
0xf7: {  	v8 =	vld [tilespmem:s28+$0x40];
	[tilespmem:v4+s18+$0x0] =	vst.idx.msk $0xffff, v5;
	v4 =	vmov s2  }
0xf8: {  	v4 =	vand.u32 $0x7F, v4;
	v10 =	vld [tilespmem:s26+$0x50]  }
0xf9: {  	v5 =	vmul.f32 $8.000000000e+00, v7;
	v7 =	vadd.s32 v0, v4  }
0xfa: {  	s7 =	simm.s32 $0x2;
	v11 =	vadd.s32 v1, v9  }
0xfb: {  	v12 =	vld [tilespmem:s28+$0x0];
	[tilespmem:v6+s18+$0x0] =	vst.idx.msk $0xffff, v5;
	v5 =	vmov s7  }
0xfc: {  	v6 =	vmul.f32 $8.000000000e+00, v8;
	v5 =	vand.u32 $0x7E, v5;
	v8 =	vld [tilespmem:s26+$0x10]  }
0xfd: {  	s11 =	simm.s32 $0x5;
	s29 =	sadd.s32 $0x80, s28;
	v13 =	vadd.s32 v0, v5;
	v10 =	vmul.f32 $8.000000000e+00, v10  }
0xfe: {  	v15 =	vld [tilespmem:s29+$0x40];
	[tilespmem:v7+s18+$0x0] =	vst.idx.msk $0xffff, v6;
	v7 =	vadd.s32 v1, v14;
	v6 =	vmov s11  }
0xff: {  	[tilespmem:v11+s18+$0x0] =	vst.idx.msk $0xffff, v10;
	v6 =	vand.u32 $0x7F, v6;
	v10 =	vld [tilespmem:s28+$0x50]  }
0x100: {  	v11 =	vmul.f32 $8.000000000e+00, v12;
	v12 =	vadd.s32 v0, v6;
	v16 =	vld [tilespmem:s26+$0x60]  }
0x101: {  	s16 =	simm.s32 $0x4;
	v17 =	vadd.s32 v1, v4;
	v8 =	vmul.f32 $8.000000000e+00, v8  }
0x102: {  	v18 =	vadd.s32 v2, v9;
	[tilespmem:v13+s18+$0x0] =	vst.idx.msk $0xffff, v11;
	v11 =	vmov s16;
	v13 =	vld [tilespmem:s29+$0x0]  }
0x103: {  	[tilespmem:v7+s18+$0x0] =	vst.idx.msk $0xffff, v8;
	v7 =	vand.u32 $0x7E, v11;
	v8 =	vmul.f32 $8.000000000e+00, v15;
	v11 =	vld [tilespmem:s28+$0x10]  }
0x104: {  	s17 =	simm.s32 $0x7;
	s30 =	sadd.s32 $0x80, s29;
	v15 =	vadd.s32 v0, v7;
	v10 =	vmul.f32 $8.000000000e+00, v10;
	v19 =	vld [tilespmem:s26+$0x20]  }
0x105: {  	v20 =	vld [tilespmem:s30+$0x40];
	[tilespmem:v12+s18+$0x0] =	vst.idx.msk $0xffff, v8;
	v12 =	vadd.s32 v1, v5;
	v16 =	vmul.f32 $8.000000000e+00, v16;
	v8 =	vmov s17  }
0x106: {  	[tilespmem:v17+s18+$0x0] =	vst.idx.msk $0xffff, v10;
	v10 =	vadd.s32 v2, v14;
	v8 =	vand.u32 $0x7F, v8;
	v17 =	vld [tilespmem:s29+$0x50]  }
0x107: {  	v13 =	vmul.f32 $8.000000000e+00, v13;
	[tilespmem:v18+s18+$0x0] =	vst.idx.msk $0xffff, v16;
	v16 =	vadd.s32 v0, v8;
	v18 =	vld [tilespmem:s28+$0x60]  }
0x108: {  	s22 =	simm.s32 $0x6;
	v21 =	vadd.s32 v1, v6;
	v11 =	vmul.f32 $8.000000000e+00, v11;
	v22 =	vld [tilespmem:s26+$0x70]  }
0x109: {  	v23 =	vadd.s32 v2, v4;
	[tilespmem:v15+s18+$0x0] =	vst.idx.msk $0xffff, v13;
	v13 =	vmul.f32 $8.000000000e+00, v19;
	v15 =	vld [tilespmem:s30+$0x0];
	v19 =	vmov s22  }
0x10a: {  	v25 =	vadd.s32 v3, v9;
	[tilespmem:v12+s18+$0x0] =	vst.idx.msk $0xffff, v11;
	v12 =	vmul.f32 $8.000000000e+00, v20;
	v24 =	vld [tilespmem:s29+$0x10];
	v9 =	vand.u32 $0x7E, v19  }
0x10b: {  	[tilespmem:v10+s18+$0x0] =	vst.idx.msk $0xffff, v13;
	v10 =	vmul.f32 $8.000000000e+00, v17;
	v11 =	vld [tilespmem:s28+$0x20];
	v17 =	vadd.s32 v0, v9  }
0x10c: {  	s31 =	simm.s32 $0x9;
	s2 =	sadd.s32 $0x80, s30;
	[tilespmem:v16+s18+$0x0] =	vst.idx.msk $0xffff, v12;
	v20 =	vmul.f32 $8.000000000e+00, v18;
	v12 =	vld [tilespmem:s26+$0x30];
	v16 =	vadd.s32 v1, v7  }
0x10d: {  	v19 =	vld [tilespmem:s2+$0x40];
	v13 =	vadd.s32 v2, v5;
	v18 =	vmov s31;
	[tilespmem:v21+s18+$0x0] =	vst.idx.msk $0xffff, v10;
	v26 =	vmul.f32 $8.000000000e+00, v22  }
0x10e: {  	v14 =	vadd.s32 v3, v14;
	v10 =	vand.u32 $0x7F, v18;
	v18 =	vld [tilespmem:s30+$0x50];
	v22 =	vmul.f32 $8.000000000e+00, v15;
	[tilespmem:v23+s18+$0x0] =	vst.idx.msk $0xffff, v20  }
0x10f: {  	s0 =	smov.u32 s2;
	s16 =	simm.s32 $0xA;
	s17 =	simm.s32 $0x8;
	v20 =	vadd.s32 v0, v10;
	v15 =	vld [tilespmem:s29+$0x60];
	v21 =	vmul.f32 $8.000000000e+00, v24;
	[tilespmem:v25+s18+$0x0] =	vst.idx.msk $0xffff, v26  }
.LBB2_18:
0x110: {  	p2 =	slt.u32 s16, $0x7E;
	[tilespmem:v17+s18+$0x0] =	vst.idx.msk $0xffff, v22;
	v22 =	vadd.s32 v1, v8;
	v11 =	vmul.f32 $8.000000000e+00, v11;
	v23 =	vld [tilespmem:s28+$0x70]  }
0x111: {  	v17 =	vmov s17;
	s17 =	smov.u32 s16;
	v24 =	vld [tilespmem:s2+$0x0];
	[tilespmem:v16+s18+$0x0] =	vst.idx.msk $0xffff, v21;
	v21 =	vadd.s32 v2, v6;
	v12 =	vmul.f32 $8.000000000e+00, v12  }
0x112: {  	v27 =	vadd.s32 v3, v4;
	v4 =	vmovc v6;
	v25 =	vand.u32 $0x7E, v17;
	v16 =	vmul.f32 $8.000000000e+00, v19;
	v26 =	vld [tilespmem:s30+$0x10];
	[tilespmem:v13+s18+$0x0] =	vst.idx.msk $0xffff, v11  }
.Ltmp7:
0x113: {  	v6 =	vmovc v8;
	v8 =	vmov v10;
	v17 =	vadd.s32 v0, v25;
	v13 =	vmul.f32 $8.000000000e+00, v18;
	v11 =	vld [tilespmem:s29+$0x20];
	[tilespmem:v14+s18+$0x0] =	vst.idx.msk $0xffff, v12;
	(pc) =	sbr.rel @p2 .LBB2_18-.Ltmp7, $4  }
0x114: {  	s7 =	sadd.s32 $0x1, s16;
	s2 =	sadd.s32 $0x80, s2;
	[tilespmem:v20+s18+$0x0] =	vst.idx.msk $0xffff, v16;
	v16 =	vadd.s32 v1, v9;
	v14 =	vmul.f32 $8.000000000e+00, v15;
	v12 =	vld [tilespmem:s28+$0x30];
	s28 =	smov.u32 s29  }
0x115: {  	v10 =	vmov s7;
	s29 =	smov.u32 s30;
	s30 =	smov.u32 s0;
	s0 =	smov.u32 s2;
	v19 =	vld [tilespmem:s2+$0x40];
	[tilespmem:v22+s18+$0x0] =	vst.idx.msk $0xffff, v13;
	v13 =	vadd.s32 v2, v7;
	v23 =	vmul.f32 $8.000000000e+00, v23  }
0x116: {  	v10 =	vand.u32 $0x7F, v10;
	v22 =	vmul.f32 $8.000000000e+00, v24;
	v18 =	vld [tilespmem:s30+$0x50];
	[tilespmem:v21+s18+$0x0] =	vst.idx.msk $0xffff, v14;
	v14 =	vadd.s32 v3, v5;
	v5 =	vmovc v7  }
0x117: {  	s16 =	sadd.s32 $0x2, s16;
	v20 =	vadd.s32 v0, v10;
	v7 =	vmovc v9;
	v9 =	vmov v25;
	v21 =	vmul.f32 $8.000000000e+00, v26;
	v15 =	vld [tilespmem:s29+$0x60];
	[tilespmem:v27+s18+$0x0] =	vst.idx.msk $0xffff, v23  }
0x118: {  	v23 =	vmov s17;
	v24 =	vld [tilespmem:s2+$0x0]  }
0x119: {  	v23 =	vand.u32 $0x7E, v23  }
0x11a: {  	v25 =	vadd.s32 v0, v23;
	_ =	sdelay $0x1  }
0x11b: {  	v19 =	vmul.f32 $8.000000000e+00, v19  }
0x11c: {  	[tilespmem:v17+s18+$0x0] =	vst.idx.msk $0xffff, v22;
	v62 =	vmul.f32 $8.000000000e+00, v24  }
0x11d: {  	v22 =	vld [tilespmem:s30+$0x10];
	[tilespmem:v20+s18+$0x0] =	vst.idx.msk $0xffff, v19  }
0x11e: {  	v63 =	vadd.s32 v1, v8;
	v20 =	vld [tilespmem:s0+$0x50];
	[tilespmem:v25+s18+$0x0] =	vst.idx.msk $0xffff, v62  }
0x11f: {  	v28 =	vadd.s32 v1, v9;
	v29 =	vld [tilespmem:s0+$0x10]  }
0x120: {  	v30 =	vadd.s32 v1, v10  }
0x121: {  	v26 =	vadd.s32 v1, v23;
	v18 =	vmul.f32 $8.000000000e+00, v18  }
0x122: {  	[tilespmem:v16+s18+$0x0] =	vst.idx.msk $0xffff, v21;
	v31 =	vmul.f32 $8.000000000e+00, v22  }
0x123: {  	v32 =	vld [tilespmem:s29+$0x20];
	[tilespmem:v63+s18+$0x0] =	vst.idx.msk $0xffff, v18;
	v33 =	vmul.f32 $8.000000000e+00, v20  }
0x124: {  	v34 =	vadd.s32 v2, v6;
	v35 =	vld [tilespmem:s30+$0x60];
	[tilespmem:v28+s18+$0x0] =	vst.idx.msk $0xffff, v31;
	v36 =	vmul.f32 $8.000000000e+00, v29  }
0x125: {  	v11 =	vmul.f32 $8.000000000e+00, v11;
	v37 =	vadd.s32 v2, v7;
	v38 =	vld [tilespmem:s30+$0x20];
	[tilespmem:v30+s18+$0x0] =	vst.idx.msk $0xffff, v33  }
0x126: {  	v39 =	vadd.s32 v2, v8;
	v12 =	vmul.f32 $8.000000000e+00, v12;
	v40 =	vld [tilespmem:s0+$0x60];
	[tilespmem:v26+s18+$0x0] =	vst.idx.msk $0xffff, v36  }
0x127: {  	v42 =	vadd.s32 v2, v9;
	[tilespmem:v13+s18+$0x0] =	vst.idx.msk $0xffff, v11;
	v41 =	vmul.f32 $8.000000000e+00, v15;
	v43 =	vld [tilespmem:s0+$0x20]  }
0x128: {  	v44 =	vld [tilespmem:s28+$0x70];
	v46 =	vadd.s32 v2, v10;
	[tilespmem:v14+s18+$0x0] =	vst.idx.msk $0xffff, v12;
	v45 =	vmul.f32 $8.000000000e+00, v32  }
0x129: {  	v49 =	vadd.s32 v2, v23;
	v47 =	vld [tilespmem:s28+$0x30];
	[tilespmem:v34+s18+$0x0] =	vst.idx.msk $0xffff, v41;
	v48 =	vmul.f32 $8.000000000e+00, v35  }
0x12a: {  	v4 =	vadd.s32 v3, v4;
	[tilespmem:v37+s18+$0x0] =	vst.idx.msk $0xffff, v45;
	v20 =	vld [tilespmem:s29+$0x70];
	v50 =	vmul.f32 $8.000000000e+00, v38  }
0x12b: {  	v5 =	vadd.s32 v3, v5;
	v51 =	vld [tilespmem:s29+$0x30];
	[tilespmem:v39+s18+$0x0] =	vst.idx.msk $0xffff, v48;
	v52 =	vmul.f32 $8.000000000e+00, v40  }
0x12c: {  	v53 =	vadd.s32 v3, v6;
	v54 =	vld [tilespmem:s30+$0x70];
	[tilespmem:v42+s18+$0x0] =	vst.idx.msk $0xffff, v50;
	v55 =	vmul.f32 $8.000000000e+00, v43  }
0x12d: {  	v57 =	vadd.s32 v3, v7;
	v56 =	vmul.f32 $8.000000000e+00, v44;
	v58 =	vld [tilespmem:s30+$0x30];
	[tilespmem:v46+s18+$0x0] =	vst.idx.msk $0xffff, v52  }
0x12e: {  	v60 =	vadd.s32 v3, v8;
	v59 =	vmul.f32 $8.000000000e+00, v47;
	v14 =	vld [tilespmem:s0+$0x70];
	[tilespmem:v49+s18+$0x0] =	vst.idx.msk $0xffff, v55  }
0x12f: {  	v61 =	vadd.s32 v3, v9;
	[tilespmem:v4+s18+$0x0] =	vst.idx.msk $0xffff, v56;
	v4 =	vmul.f32 $8.000000000e+00, v20;
	v12 =	vld [tilespmem:s0+$0x30]  }
0x130: {  	v62 =	vadd.s32 v3, v10;
	[tilespmem:v5+s18+$0x0] =	vst.idx.msk $0xffff, v59;
	v5 =	vmul.f32 $8.000000000e+00, v51  }
0x131: {  	v63 =	vadd.s32 v3, v23;
	[tilespmem:v53+s18+$0x0] =	vst.idx.msk $0xffff, v4;
	v4 =	vmul.f32 $8.000000000e+00, v54  }
0x132: {  	[tilespmem:v57+s18+$0x0] =	vst.idx.msk $0xffff, v5;
	v5 =	vmul.f32 $8.000000000e+00, v58  }
0x133: {  	[tilespmem:v60+s18+$0x0] =	vst.idx.msk $0xffff, v4;
	v4 =	vmul.f32 $8.000000000e+00, v14  }
0x134: {  	[tilespmem:v61+s18+$0x0] =	vst.idx.msk $0xffff, v5;
	v5 =	vmul.f32 $8.000000000e+00, v12  }
0x135: {  	s2 =	simm.s32 $0x10800;
	s0 =	sadd.s32 s24, s9;
	[tilespmem:v62+s18+$0x0] =	vst.idx.msk $0xffff, v4  }
0x136: {  	s16 =	simm.s32 $0x200;
	s17 =	simm.s32 $0x10888;
	s26 =	sadd.s32 $0x0, s0;
	[tilespmem:v63+s18+$0x0] =	vst.idx.msk $0xffff, v5  }
.LBB2_20:
0x137: {  	[hbm4b:s26+s3] =	stream.linear.scatter [tilespmem:s2], [sflag:$0x3], $0x80, $0x38;
	[tilespmem:$0x14C00] =	vst v63  }
0x138: {  	s7 =	smov.u32 s16;
	s2 =	smov.u32 s17;
	p2 =	sne.s32 s16, $0x7E00  }
.Ltmp8:
0x139: {  	s16 =	sadd.s32 $0x200, s16;
	(pc) =	sbr.rel @p2 .LBB2_20-.Ltmp8, $2  }
0x13a: {  	_ =	sdelay $0x2  }
0x13b: {  	s17 =	sadd.s32 $0x88, s17;
	s26 =	sadd.s32 s7, s0  }
0x13c: {  	[hbm4b:s26+s3] =	stream.linear.scatter [tilespmem:s2], [sflag:$0x3], $0x80, $0x38;
	[tilespmem:$0x14C00] =	vst v63  }
0x13d: {  	_ =	swait.ge [sflag:s21], $0x2000  }
0x13e: {  	[sflag:s21] =	ssyncset.done $0x0  }
0x13f: {  	s0 =	simm.s32 $0x1;
	[sflag:s21] =	ssyncadd.s32 $0xFFFFE000  }
0x140: {  	v4 =	vmov s0;
	v5 =	vld [tilespmem:s25+$0x40]  }
0x141: {  	v9 =	vand.u32 $0x7F, v4  }
0x142: {  	v4 =	vadd.s32 v0, v9  }
0x143: {  	s2 =	simm.s32 $0x0  }
0x144: {  	v6 =	vmov s2;
	v7 =	vld [tilespmem:s25+$0x0]  }
0x145: {  	v14 =	vand.u32 $0x7E, v6;
	v5 =	vmul.f32 $8.000000000e+00, v5  }
0x146: {  	s7 =	simm.s32 $0x3;
	s26 =	sadd.s32 $0x80, s25;
	v6 =	vadd.s32 v0, v14  }
0x147: {  	v8 =	vld [tilespmem:s26+$0x40];
	[tilespmem:v4+s19+$0x0] =	vst.idx.msk $0xffff, v5;
	v4 =	vmov s7  }
0x148: {  	v4 =	vand.u32 $0x7F, v4;
	v10 =	vld [tilespmem:s25+$0x50]  }
0x149: {  	v5 =	vmul.f32 $8.000000000e+00, v7;
	v7 =	vadd.s32 v0, v4  }
0x14a: {  	s11 =	simm.s32 $0x2;
	v11 =	vadd.s32 v1, v9  }
0x14b: {  	v12 =	vld [tilespmem:s26+$0x0];
	[tilespmem:v6+s19+$0x0] =	vst.idx.msk $0xffff, v5;
	v5 =	vmov s11  }
0x14c: {  	v6 =	vmul.f32 $8.000000000e+00, v8;
	v5 =	vand.u32 $0x7E, v5;
	v8 =	vld [tilespmem:s25+$0x10]  }
0x14d: {  	s16 =	simm.s32 $0x5;
	s28 =	sadd.s32 $0x80, s26;
	v13 =	vadd.s32 v0, v5;
	v10 =	vmul.f32 $8.000000000e+00, v10  }
0x14e: {  	v15 =	vld [tilespmem:s28+$0x40];
	[tilespmem:v7+s19+$0x0] =	vst.idx.msk $0xffff, v6;
	v7 =	vadd.s32 v1, v14;
	v6 =	vmov s16  }
0x14f: {  	[tilespmem:v11+s19+$0x0] =	vst.idx.msk $0xffff, v10;
	v6 =	vand.u32 $0x7F, v6;
	v10 =	vld [tilespmem:s26+$0x50]  }
0x150: {  	v11 =	vmul.f32 $8.000000000e+00, v12;
	v12 =	vadd.s32 v0, v6;
	v16 =	vld [tilespmem:s25+$0x60]  }
0x151: {  	s17 =	simm.s32 $0x4;
	v17 =	vadd.s32 v1, v4;
	v8 =	vmul.f32 $8.000000000e+00, v8  }
0x152: {  	v18 =	vadd.s32 v2, v9;
	[tilespmem:v13+s19+$0x0] =	vst.idx.msk $0xffff, v11;
	v11 =	vmov s17;
	v13 =	vld [tilespmem:s28+$0x0]  }
0x153: {  	[tilespmem:v7+s19+$0x0] =	vst.idx.msk $0xffff, v8;
	v7 =	vand.u32 $0x7E, v11;
	v8 =	vmul.f32 $8.000000000e+00, v15;
	v11 =	vld [tilespmem:s26+$0x10]  }
0x154: {  	s22 =	simm.s32 $0x7;
	s29 =	sadd.s32 $0x80, s28;
	v15 =	vadd.s32 v0, v7;
	v10 =	vmul.f32 $8.000000000e+00, v10;
	v19 =	vld [tilespmem:s25+$0x20]  }
0x155: {  	v20 =	vld [tilespmem:s29+$0x40];
	[tilespmem:v12+s19+$0x0] =	vst.idx.msk $0xffff, v8;
	v12 =	vadd.s32 v1, v5;
	v16 =	vmul.f32 $8.000000000e+00, v16;
	v8 =	vmov s22  }
0x156: {  	[tilespmem:v17+s19+$0x0] =	vst.idx.msk $0xffff, v10;
	v10 =	vadd.s32 v2, v14;
	v8 =	vand.u32 $0x7F, v8;
	v17 =	vld [tilespmem:s28+$0x50]  }
0x157: {  	v13 =	vmul.f32 $8.000000000e+00, v13;
	[tilespmem:v18+s19+$0x0] =	vst.idx.msk $0xffff, v16;
	v16 =	vadd.s32 v0, v8;
	v18 =	vld [tilespmem:s26+$0x60]  }
0x158: {  	s30 =	simm.s32 $0x6;
	v21 =	vadd.s32 v1, v6;
	v11 =	vmul.f32 $8.000000000e+00, v11;
	v22 =	vld [tilespmem:s25+$0x70]  }
0x159: {  	v23 =	vadd.s32 v2, v4;
	[tilespmem:v15+s19+$0x0] =	vst.idx.msk $0xffff, v13;
	v13 =	vmul.f32 $8.000000000e+00, v19;
	v15 =	vld [tilespmem:s29+$0x0];
	v19 =	vmov s30  }
0x15a: {  	v25 =	vadd.s32 v3, v9;
	[tilespmem:v12+s19+$0x0] =	vst.idx.msk $0xffff, v11;
	v12 =	vmul.f32 $8.000000000e+00, v20;
	v24 =	vld [tilespmem:s28+$0x10];
	v9 =	vand.u32 $0x7E, v19  }
0x15b: {  	[tilespmem:v10+s19+$0x0] =	vst.idx.msk $0xffff, v13;
	v10 =	vmul.f32 $8.000000000e+00, v17;
	v11 =	vld [tilespmem:s26+$0x20];
	v17 =	vadd.s32 v0, v9  }
0x15c: {  	s31 =	simm.s32 $0x9;
	s2 =	sadd.s32 $0x80, s29;
	[tilespmem:v16+s19+$0x0] =	vst.idx.msk $0xffff, v12;
	v20 =	vmul.f32 $8.000000000e+00, v18;
	v12 =	vld [tilespmem:s25+$0x30];
	v16 =	vadd.s32 v1, v7  }
0x15d: {  	v19 =	vld [tilespmem:s2+$0x40];
	v13 =	vadd.s32 v2, v5;
	v18 =	vmov s31;
	[tilespmem:v21+s19+$0x0] =	vst.idx.msk $0xffff, v10;
	v26 =	vmul.f32 $8.000000000e+00, v22  }
0x15e: {  	v14 =	vadd.s32 v3, v14;
	v10 =	vand.u32 $0x7F, v18;
	v18 =	vld [tilespmem:s29+$0x50];
	v22 =	vmul.f32 $8.000000000e+00, v15;
	[tilespmem:v23+s19+$0x0] =	vst.idx.msk $0xffff, v20  }
0x15f: {  	s0 =	smov.u32 s2;
	s16 =	simm.s32 $0xA;
	s17 =	simm.s32 $0x8;
	v20 =	vadd.s32 v0, v10;
	v15 =	vld [tilespmem:s28+$0x60];
	v21 =	vmul.f32 $8.000000000e+00, v24;
	[tilespmem:v25+s19+$0x0] =	vst.idx.msk $0xffff, v26  }
.LBB2_22:
0x160: {  	p2 =	slt.u32 s16, $0x7E;
	[tilespmem:v17+s19+$0x0] =	vst.idx.msk $0xffff, v22;
	v22 =	vadd.s32 v1, v8;
	v11 =	vmul.f32 $8.000000000e+00, v11;
	v23 =	vld [tilespmem:s26+$0x70]  }
0x161: {  	v17 =	vmov s17;
	s17 =	smov.u32 s16;
	v24 =	vld [tilespmem:s2+$0x0];
	[tilespmem:v16+s19+$0x0] =	vst.idx.msk $0xffff, v21;
	v21 =	vadd.s32 v2, v6;
	v12 =	vmul.f32 $8.000000000e+00, v12  }
0x162: {  	v27 =	vadd.s32 v3, v4;
	v4 =	vmovc v6;
	v25 =	vand.u32 $0x7E, v17;
	v16 =	vmul.f32 $8.000000000e+00, v19;
	v26 =	vld [tilespmem:s29+$0x10];
	[tilespmem:v13+s19+$0x0] =	vst.idx.msk $0xffff, v11  }
.Ltmp9:
0x163: {  	v6 =	vmovc v8;
	v8 =	vmov v10;
	v17 =	vadd.s32 v0, v25;
	v13 =	vmul.f32 $8.000000000e+00, v18;
	v11 =	vld [tilespmem:s28+$0x20];
	[tilespmem:v14+s19+$0x0] =	vst.idx.msk $0xffff, v12;
	(pc) =	sbr.rel @p2 .LBB2_22-.Ltmp9, $4  }
0x164: {  	s7 =	sadd.s32 $0x1, s16;
	s2 =	sadd.s32 $0x80, s2;
	[tilespmem:v20+s19+$0x0] =	vst.idx.msk $0xffff, v16;
	v16 =	vadd.s32 v1, v9;
	v14 =	vmul.f32 $8.000000000e+00, v15;
	v12 =	vld [tilespmem:s26+$0x30];
	s26 =	smov.u32 s28  }
0x165: {  	v10 =	vmov s7;
	s28 =	smov.u32 s29;
	s29 =	smov.u32 s0;
	s0 =	smov.u32 s2;
	v19 =	vld [tilespmem:s2+$0x40];
	[tilespmem:v22+s19+$0x0] =	vst.idx.msk $0xffff, v13;
	v13 =	vadd.s32 v2, v7;
	v23 =	vmul.f32 $8.000000000e+00, v23  }
0x166: {  	v10 =	vand.u32 $0x7F, v10;
	v22 =	vmul.f32 $8.000000000e+00, v24;
	v18 =	vld [tilespmem:s29+$0x50];
	[tilespmem:v21+s19+$0x0] =	vst.idx.msk $0xffff, v14;
	v14 =	vadd.s32 v3, v5;
	v5 =	vmovc v7  }
0x167: {  	s16 =	sadd.s32 $0x2, s16;
	v20 =	vadd.s32 v0, v10;
	v7 =	vmovc v9;
	v9 =	vmov v25;
	v21 =	vmul.f32 $8.000000000e+00, v26;
	v15 =	vld [tilespmem:s28+$0x60];
	[tilespmem:v27+s19+$0x0] =	vst.idx.msk $0xffff, v23  }
0x168: {  	v23 =	vmov s17;
	v24 =	vld [tilespmem:s2+$0x0]  }
0x169: {  	v23 =	vand.u32 $0x7E, v23  }
0x16a: {  	v25 =	vadd.s32 v0, v23;
	_ =	sdelay $0x1  }
0x16b: {  	v19 =	vmul.f32 $8.000000000e+00, v19  }
0x16c: {  	[tilespmem:v17+s19+$0x0] =	vst.idx.msk $0xffff, v22;
	v62 =	vmul.f32 $8.000000000e+00, v24  }
0x16d: {  	v22 =	vld [tilespmem:s29+$0x10];
	[tilespmem:v20+s19+$0x0] =	vst.idx.msk $0xffff, v19  }
0x16e: {  	v63 =	vadd.s32 v1, v8;
	v20 =	vld [tilespmem:s0+$0x50];
	[tilespmem:v25+s19+$0x0] =	vst.idx.msk $0xffff, v62  }
0x16f: {  	v28 =	vadd.s32 v1, v9;
	v29 =	vld [tilespmem:s0+$0x10]  }
0x170: {  	v30 =	vadd.s32 v1, v10  }
0x171: {  	v26 =	vadd.s32 v1, v23;
	v18 =	vmul.f32 $8.000000000e+00, v18  }
0x172: {  	[tilespmem:v16+s19+$0x0] =	vst.idx.msk $0xffff, v21;
	v31 =	vmul.f32 $8.000000000e+00, v22  }
0x173: {  	v32 =	vld [tilespmem:s28+$0x20];
	[tilespmem:v63+s19+$0x0] =	vst.idx.msk $0xffff, v18;
	v33 =	vmul.f32 $8.000000000e+00, v20  }
0x174: {  	v34 =	vadd.s32 v2, v6;
	v35 =	vld [tilespmem:s29+$0x60];
	[tilespmem:v28+s19+$0x0] =	vst.idx.msk $0xffff, v31;
	v36 =	vmul.f32 $8.000000000e+00, v29  }
0x175: {  	v11 =	vmul.f32 $8.000000000e+00, v11;
	v37 =	vadd.s32 v2, v7;
	v38 =	vld [tilespmem:s29+$0x20];
	[tilespmem:v30+s19+$0x0] =	vst.idx.msk $0xffff, v33  }
0x176: {  	v39 =	vadd.s32 v2, v8;
	v12 =	vmul.f32 $8.000000000e+00, v12;
	v40 =	vld [tilespmem:s0+$0x60];
	[tilespmem:v26+s19+$0x0] =	vst.idx.msk $0xffff, v36  }
0x177: {  	v42 =	vadd.s32 v2, v9;
	[tilespmem:v13+s19+$0x0] =	vst.idx.msk $0xffff, v11;
	v41 =	vmul.f32 $8.000000000e+00, v15;
	v43 =	vld [tilespmem:s0+$0x20]  }
0x178: {  	v44 =	vld [tilespmem:s26+$0x70];
	v46 =	vadd.s32 v2, v10;
	[tilespmem:v14+s19+$0x0] =	vst.idx.msk $0xffff, v12;
	v45 =	vmul.f32 $8.000000000e+00, v32  }
0x179: {  	v49 =	vadd.s32 v2, v23;
	v47 =	vld [tilespmem:s26+$0x30];
	[tilespmem:v34+s19+$0x0] =	vst.idx.msk $0xffff, v41;
	v48 =	vmul.f32 $8.000000000e+00, v35  }
0x17a: {  	v4 =	vadd.s32 v3, v4;
	[tilespmem:v37+s19+$0x0] =	vst.idx.msk $0xffff, v45;
	v20 =	vld [tilespmem:s28+$0x70];
	v50 =	vmul.f32 $8.000000000e+00, v38  }
0x17b: {  	v5 =	vadd.s32 v3, v5;
	v51 =	vld [tilespmem:s28+$0x30];
	[tilespmem:v39+s19+$0x0] =	vst.idx.msk $0xffff, v48;
	v52 =	vmul.f32 $8.000000000e+00, v40  }
0x17c: {  	v53 =	vadd.s32 v3, v6;
	v54 =	vld [tilespmem:s29+$0x70];
	[tilespmem:v42+s19+$0x0] =	vst.idx.msk $0xffff, v50;
	v55 =	vmul.f32 $8.000000000e+00, v43  }
0x17d: {  	v57 =	vadd.s32 v3, v7;
	v56 =	vmul.f32 $8.000000000e+00, v44;
	v58 =	vld [tilespmem:s29+$0x30];
	[tilespmem:v46+s19+$0x0] =	vst.idx.msk $0xffff, v52  }
0x17e: {  	v60 =	vadd.s32 v3, v8;
	v59 =	vmul.f32 $8.000000000e+00, v47;
	v14 =	vld [tilespmem:s0+$0x70];
	[tilespmem:v49+s19+$0x0] =	vst.idx.msk $0xffff, v55  }
0x17f: {  	v61 =	vadd.s32 v3, v9;
	[tilespmem:v4+s19+$0x0] =	vst.idx.msk $0xffff, v56;
	v4 =	vmul.f32 $8.000000000e+00, v20;
	v12 =	vld [tilespmem:s0+$0x30]  }
0x180: {  	v62 =	vadd.s32 v3, v10;
	[tilespmem:v5+s19+$0x0] =	vst.idx.msk $0xffff, v59;
	v5 =	vmul.f32 $8.000000000e+00, v51  }
0x181: {  	v63 =	vadd.s32 v3, v23;
	[tilespmem:v53+s19+$0x0] =	vst.idx.msk $0xffff, v4;
	v4 =	vmul.f32 $8.000000000e+00, v54  }
0x182: {  	[tilespmem:v57+s19+$0x0] =	vst.idx.msk $0xffff, v5;
	v5 =	vmul.f32 $8.000000000e+00, v58  }
0x183: {  	[tilespmem:v60+s19+$0x0] =	vst.idx.msk $0xffff, v4;
	v4 =	vmul.f32 $8.000000000e+00, v14  }
0x184: {  	[tilespmem:v61+s19+$0x0] =	vst.idx.msk $0xffff, v5;
	v5 =	vmul.f32 $8.000000000e+00, v12  }
0x185: {  	s2 =	simm.s32 $0x12A00;
	s0 =	sadd.s32 s24, s10;
	[tilespmem:v62+s19+$0x0] =	vst.idx.msk $0xffff, v4  }
0x186: {  	s16 =	simm.s32 $0x200;
	s17 =	simm.s32 $0x12A88;
	s24 =	sadd.s32 $0x0, s0;
	[tilespmem:v63+s19+$0x0] =	vst.idx.msk $0xffff, v5  }
.LBB2_24:
0x187: {  	[hbm4b:s24+s3] =	stream.linear.scatter [tilespmem:s2], [sflag:$0x4], $0x80, $0x38;
	[tilespmem:$0x14C00] =	vst v63  }
0x188: {  	s7 =	smov.u32 s16;
	s2 =	smov.u32 s17;
	p2 =	seq.s32 s16, $0x7E00  }
.Ltmp10:
0x189: {  	s16 =	sadd.s32 $0x200, s16;
	(pc) =	sbr.rel @!p2 .LBB2_24-.Ltmp10, $2  }
0x18a: {  	_ =	sdelay $0x2  }
0x18b: {  	s17 =	sadd.s32 $0x88, s17;
	s24 =	sadd.s32 s7, s0  }
0x18c: {  	[hbm4b:s24+s3] =	stream.linear.scatter [tilespmem:s2], [sflag:$0x4], $0x80, $0x38;
	[tilespmem:$0x14C00] =	vst v63  }
0x18d: {  	p2 =	seq.s32 s23, $0x32  }
.Ltmp11:
0x18e: {  	_ = 	snop;
	(pc) =	sbr.rel @!p2 .LBB2_5-.Ltmp11, $2  }
0x18f: {  	_ =	sdelay $0x2  }
0x190: {  	p0 =	por !p0, !p0;
	p1 =	por !p1, !p1;
	s24 =	smov.u32 s23  }
0x191: {  	_ =	swait.ge [sflag:s20], $0x2000  }
0x192: {  	[sflag:s20] =	ssyncset.done $0x0  }
0x193: {  	[sflag:s20] =	ssyncadd.s32 $0xFFFFE000  }
0x194: {  	_ =	swait.ge [sflag:s21], $0x2000  }
0x195: {  	s2 =	rddreg [dreg:$0x5]  }
0x196: {  	s0 =	rddreg [dreg:$0x4];
	s2 =	sadd.s32 $0x1, s2  }
0x197: {  	p0 =	sne.s32 s2, s0  }
.Ltmp12:
0x198: {  	_ = 	snop;
	(pc) =	sbr.rel @p0 .LBB2_1-.Ltmp12, $3  }
0x199: {  	_ =	sdelay $0x1  }
0x19a: {  	[sflag:s21] =	ssyncset.done $0x0  }
0x19b: {  	[sflag:s21] =	ssyncadd.s32 $0xFFFFE000  }
0x19c: {  	_ =	sfence.sel $0x180000  }
0x19d: {  	[bflag:$0x0] =	sbarrier.arrive $0xFFFF  }
0x19e: {  	_ =	strace $0x90000047  }
0x19f: {  	s0 =	stileid.u32;
	[bflag:$0x2] =	sbarrier.arrive $0xFFFF  }
0x1a0: {  	p0 =	sne.s32 s0, $0x0;
	s0 =	rddreg [dreg:$0x2]  }
0x1a1: {  	s0 =	sadd.s32 @!p0 $0x100000, s0  }
0x1a2: {  	[sflag:s0] =	ssyncadd.tile.s32 @!p0 $0x1;
	_ =	shalt  }
.Lfunc_end2:
_tile_overlayer_lowered:
.L_overlay_start_2:
0x1a3: {  	(tag) =	ssettag $0x2  }
0x1a4: {  	s0 =	rddreg [dreg:$0x0];
	s2 =	stileid.u32  }
0x1a5: {  	s1 =	rddreg [dreg:$0x1];
	p0 =	sne.s32 s2, $0x0  }
0x1a6: {  	s3 =	rddreg [dreg:$0x2];
	[bflag:$0x3] =	sbarrier.arrive $0xFFFF;
	s2 =	simm.s32 @!p0 $0x1C05  }
0x1a7: {  	[timem:s3], [sflag:s2] =	dma.local @!p0 [hbm:s0], s1  }
0x1a8: {  	s0 =	simm.s32 @!p0 $0x5  }
0x1a9: {  	_ =	swait.ge @!p0 [sflag:s0], s1  }
0x1aa: {  	s1 =	ssub.s32 @!p0 $0x0, s1;
	[sflag:s0] =	ssyncset.done @!p0 $0x0  }
0x1ab: {  	[sflag:s0] =	ssyncadd.s32 @!p0 s1  }
0x1ac: {  	[bflag:$0x3] =	sbarrier.arrive $0xFFFF  }
0x1ad: {  	_ =	shalt  }

</sc_bundles>
